<compile_context>
chip_gen: v7x
topology: tpu7x:2x2x1
jax: 0.10.2.dev20260603
libtpu: 0.0.44.dev20260713+nightly
codegen_flags: <defaults>
</compile_context>

<pallas_src>
import functools

import jax
import jax.numpy as jnp
from jax import lax
from jax.experimental import pallas as pl
from jax.experimental.pallas import tpu as pltpu
from jax.experimental.pallas import tpu_sc as plsc

G = 26
V = 100000
D = 16
B = 16384
GD = G * D
H1 = 256
H2 = 128
EPS = 1e-5

_QW = 12544
_NQ = 8
VP = _NQ * _QW
_GB = 4


def _detile_body(tabT_ref, out_ref):
    out_ref[...] = tabT_ref[...].reshape(128, _QW).T


_detile = pl.pallas_call(
    _detile_body,
    grid=(_GB, _NQ),
    in_specs=[pl.BlockSpec((8, D, _QW), lambda gb, q: (gb, 0, q))],
    out_specs=pl.BlockSpec((_QW, 128), lambda gb, q: (gb * _NQ + q, 0)),
    out_shape=jax.ShapeDtypeStruct((_GB * _NQ * _QW, 128), jnp.float32),
    compiler_params=pltpu.CompilerParams(
        vmem_limit_bytes=58 * 1024 * 1024),
)


_NC = 2
_NS = 16
_NW = _NC * _NS
_NIDX = B * G
_PER_W = _NIDX // _NW
_ROWS = _PER_W // 128
_GK = 8
_NGRP = _ROWS // _GK
_GROWS = _GK * 128


def _gather_body(idx_hbm, tab3_hbm, o0, o1, o2, o3, idx_v, rows_v,
                 sem_g, sem_o):
    wid = lax.axis_index("s") * _NC + lax.axis_index("c")
    rbase = wid * _ROWS
    nbase = wid * _PER_W
    pltpu.sync_copy(idx_hbm.at[pl.ds(rbase, _ROWS)], idx_v)

    def _fix(r, carry):
        gg = ((rbase + r) // 128) & 7
        for k in range(8):
            v = idx_v[r, pl.ds(k * 16, 16)]
            idx_v[r, pl.ds(k * 16, 16)] = (v << 3) + gg
        return carry

    lax.fori_loop(0, _ROWS, _fix, 0)

    def _grp(g, carry):
        s = (g % 2) * _GROWS
        start = nbase + g * _GROWS
        fld = start // B
        b0 = start - fld * B

        @pl.when(g >= 2)
        def _():
            pltpu.make_async_copy(tab3_hbm.at[0, pl.ds(0, _GROWS)],
                                  rows_v.at[pl.ds(0, _GROWS)], sem_o).wait()

        for q in range(_GK):
            r = g * _GK + q
            pltpu.async_copy(tab3_hbm.at[fld // 8].at[idx_v.at[r]],
                             rows_v.at[pl.ds(s + q * 128, 128)], sem_g)
        pltpu.make_async_copy(tab3_hbm.at[0, pl.ds(0, _GROWS)],
                              rows_v.at[pl.ds(0, _GROWS)], sem_g).wait()
        lane = (fld % 8) * D
        for ob, o_hbm in enumerate((o0, o1, o2, o3)):
            @pl.when(fld // 8 == ob)
            def _(o_hbm=o_hbm):
                pltpu.async_copy(rows_v.at[pl.ds(s, _GROWS)],
                                 o_hbm.at[pl.ds(b0, _GROWS),
                                          pl.ds(lane, D)],
                                 sem_o)
        return carry

    lax.fori_loop(0, _NGRP, _grp, 0)
    for _ in range(2):
        pltpu.make_async_copy(tab3_hbm.at[0, pl.ds(0, _GROWS)],
                              rows_v.at[pl.ds(0, _GROWS)], sem_o).wait()


@functools.cache
def _mk_gather():
    return functools.partial(
        pl.kernel,
        out_type=[jax.ShapeDtypeStruct((B, 128), jnp.float32)
                  for _ in range(4)],
        mesh=plsc.VectorSubcoreMesh(core_axis_name="c", subcore_axis_name="s",
                                    num_cores=_NC, num_subcores=_NS),
        scratch_types=[
            pltpu.VMEM((_ROWS, 128), jnp.int32),
            pltpu.VMEM((2 * _GROWS, D), jnp.float32),
            pltpu.SemaphoreType.DMA,
            pltpu.SemaphoreType.DMA,
        ],
        compiler_params=pltpu.CompilerParams(use_tc_tiling_on_sc=False),
    )(_gather_body)


TB = 2048
NT = B // TB


def _mlp_body(x0_ref, x1_ref, x2_ref, x3_ref,
              W1_ref, b1_ref, g1a_ref, be1a_ref, g1b_ref, be1b_ref,
              W2_ref, b2_ref, g2a_ref, be2a_ref, g2b_ref, be2b_ref,
              W3_ref, b3_ref, out_ref,
              h1_ref, h2_ref, s1_ref, s2_ref, a1_ref, a2_ref):
    p = pl.program_id(0)
    i = pl.program_id(1)

    def _affine(s_ref, ga, ba, gb, bb, a_ref):
        n = jnp.float32(B)
        m = s_ref[0:1, :] / n
        v = s_ref[1:2, :] / n - m * m
        vy = (ga * ga) * v / (v + EPS)
        scale = ga * gb * lax.rsqrt(v + EPS) * lax.rsqrt(vy + EPS)
        a_ref[0:1, :] = scale
        a_ref[1:2, :] = bb - m * scale

    @pl.when(p == 0)
    def _p0():
        @pl.when(i == 0)
        def _():
            s1_ref[...] = jnp.zeros_like(s1_ref)

        h = (jnp.dot(x0_ref[...], W1_ref[0:128, :],
                     preferred_element_type=jnp.float32)
             + jnp.dot(x1_ref[...], W1_ref[128:256, :],
                       preferred_element_type=jnp.float32)
             + jnp.dot(x2_ref[...], W1_ref[256:384, :],
                       preferred_element_type=jnp.float32)
             + jnp.dot(x3_ref[:, 0:32], W1_ref[384:416, :],
                       preferred_element_type=jnp.float32)
             + b1_ref[...])
        h1_ref[pl.ds(i * TB, TB), :] = h
        s1_ref[0:1, :] += jnp.sum(h, axis=0, keepdims=True)
        s1_ref[1:2, :] += jnp.sum(h * h, axis=0, keepdims=True)

        @pl.when(i == NT - 1)
        def _():
            _affine(s1_ref, g1a_ref[...], be1a_ref[...],
                    g1b_ref[...], be1b_ref[...], a1_ref)

    @pl.when(p == 1)
    def _p1():
        @pl.when(i == 0)
        def _():
            s2_ref[...] = jnp.zeros_like(s2_ref)

        h = h1_ref[pl.ds(i * TB, TB), :]
        y = jnp.maximum(h * a1_ref[0:1, :] + a1_ref[1:2, :], 0.0)
        h2 = jnp.dot(y, W2_ref[...],
                     preferred_element_type=jnp.float32) + b2_ref[...]
        h2_ref[pl.ds(i * TB, TB), :] = h2
        s2_ref[0:1, :] += jnp.sum(h2, axis=0, keepdims=True)
        s2_ref[1:2, :] += jnp.sum(h2 * h2, axis=0, keepdims=True)

        @pl.when(i == NT - 1)
        def _():
            _affine(s2_ref, g2a_ref[...], be2a_ref[...],
                    g2b_ref[...], be2b_ref[...], a2_ref)

    @pl.when(p == 2)
    def _p2():
        h = h2_ref[pl.ds(i * TB, TB), :]
        y = jnp.maximum(h * a2_ref[0:1, :] + a2_ref[1:2, :], 0.0)
        z = jnp.dot(y, W3_ref[...],
                    preferred_element_type=jnp.float32) + b3_ref[...]
        out_ref[...] = jax.nn.sigmoid(z)


def _mk_mlp():
    def full(shape):
        return pl.BlockSpec(shape, lambda p, i: tuple(0 for _ in shape))

    return pl.pallas_call(
        _mlp_body,
        grid=(3, NT),
        in_specs=[
            pl.BlockSpec((TB, 128), lambda p, i: (jnp.where(p == 0, i, 0), 0)),
            pl.BlockSpec((TB, 128), lambda p, i: (jnp.where(p == 0, i, 0), 0)),
            pl.BlockSpec((TB, 128), lambda p, i: (jnp.where(p == 0, i, 0), 0)),
            pl.BlockSpec((TB, 128), lambda p, i: (jnp.where(p == 0, i, 0), 0)),
            full((GD, H1)), full((1, H1)), full((1, H1)), full((1, H1)),
            full((1, H1)), full((1, H1)),
            full((H1, H2)), full((1, H2)), full((1, H2)), full((1, H2)),
            full((1, H2)), full((1, H2)),
            full((H2, 1)), full((1, 1)),
        ],
        out_specs=pl.BlockSpec((TB, 1), lambda p, i: (i, 0)),
        out_shape=jax.ShapeDtypeStruct((B, 1), jnp.float32),
        scratch_shapes=[
            pltpu.VMEM((B, H1), jnp.float32),
            pltpu.VMEM((B, H2), jnp.float32),
            pltpu.VMEM((2, H1), jnp.float32),
            pltpu.VMEM((2, H2), jnp.float32),
            pltpu.VMEM((2, H1), jnp.float32),
            pltpu.VMEM((2, H2), jnp.float32),
        ],
        compiler_params=pltpu.CompilerParams(
            vmem_limit_bytes=58 * 1024 * 1024),
    )


_mlp = _mk_mlp()


def kernel(idx, tables, W1, b1, g1a, be1a, g1b, be1b, W2, b2, g2a, be2a,
           g2b, be2b, W3, b3):
    idx2d = idx.T.reshape(_NIDX // 128, 128)
    tab_lin = _detile(jnp.transpose(tables, (0, 2, 1))).reshape(_GB, 8 * VP, D)
    x0, x1, x2, x3 = _mk_gather()(idx2d, tab_lin)
    r = lambda a: a.reshape(1, -1)
    return _mlp(x0, x1, x2, x3, W1, r(b1), r(g1a), r(be1a), r(g1b), r(be1b),
                W2, r(b2), r(g2a), r(be2a), r(g2b), r(be2b), W3, r(b3))

# --- scband reference (transcript-rebuilt; emitter-appended) ---
"""Pipeline reference for scband-group-wise-embedding-network-32023276159585 (READ-ONLY COPY).

The authoritative reference and input builder live on the scoring server;
editing this copy changes nothing except your own understanding.
"""

import jax, jax.numpy as jnp
import numpy as np

G = 26
V = 100000
D = 16
B = 16384
H1 = 256
H2 = 128


def _bn(x, g, b):
    m = jnp.mean(x, axis=0)
    v = jnp.var(x, axis=0)
    return (x - m) / jnp.sqrt(v + 1e-5) * g + b


def setup_inputs(seed: int = 0):
    key = jax.random.key(seed)
    ks = jax.random.split(key, 8)
    idx = jax.random.randint(ks[0], (B, G), 0, V)
    tables = jax.random.normal(ks[1], (G, V, D), dtype=jnp.float32) * 1e-4
    W1 = jax.random.normal(ks[2], (G * D, H1), dtype=jnp.float32) * 0.05
    b1 = jnp.zeros((H1,), jnp.float32)
    g1a = jnp.ones((H1,), jnp.float32)
    be1a = jnp.zeros((H1,), jnp.float32)
    g1b = jnp.ones((H1,), jnp.float32)
    be1b = jnp.zeros((H1,), jnp.float32)
    W2 = jax.random.normal(ks[3], (H1, H2), dtype=jnp.float32) * 0.05
    b2 = jnp.zeros((H2,), jnp.float32)
    g2a = jnp.ones((H2,), jnp.float32)
    be2a = jnp.zeros((H2,), jnp.float32)
    g2b = jnp.ones((H2,), jnp.float32)
    be2b = jnp.zeros((H2,), jnp.float32)
    W3 = jax.random.normal(ks[4], (H2, 1), dtype=jnp.float32) * 0.05
    b3 = jnp.zeros((1,), jnp.float32)
    return {
        'idx': idx, 'tables': tables,
        'W1': W1, 'b1': b1, 'g1a': g1a, 'be1a': be1a, 'g1b': g1b, 'be1b': be1b,
        'W2': W2, 'b2': b2, 'g2a': g2a, 'be2a': be2a, 'g2b': g2b, 'be2b': be2b,
        'W3': W3, 'b3': b3,
    }


def reference(idx, tables, W1, b1, g1a, be1a, g1b, be1b, W2, b2, g2a, be2a, g2b, be2b, W3, b3):
    # group-wise embedding lookup: each field i gathers from its own table, then
    # the per-field [B, 1, D] lookup is summed over dim=1 (identity here) and concatenated.
    ws = [jnp.take(tables[i], idx[:, i], axis=0) for i in range(G)]
    x = jnp.concatenate(ws, axis=1)  # [B, G*D]
    h = x @ W1 + b1
    h = _bn(h, g1a, be1a)
    h = _bn(h, g1b, be1b)
    h = jax.nn.relu(h)
    # dropout is identity in inference
    h = h @ W2 + b2
    h = _bn(h, g2a, be2a)
    h = _bn(h, g2b, be2b)
    h = jax.nn.relu(h)
    h = h @ W3 + b3
    return jax.nn.sigmoid(h)

if __name__ == "__main__":
    import jax
    _d = setup_inputs()
    print(jax.jit(kernel)(*tuple(_d.values())))

</pallas_src>

<mosaic_0001>
#map = affine_map<(d0, d1) -> (0, 0)>
#map1 = affine_map<(d0, d1) -> (0, 0, 0)>
module attributes {stable_mosaic.version = 14 : i64} {
  func.func @_gather_body(%arg0: i32, %arg1: i32, %arg2: memref<3328x128xi32, #tpu.memory_space<hbm>>, %arg3: memref<4x802816x16xf32, #tpu.memory_space<hbm>>, %arg4: memref<16384x128xf32, #tpu.memory_space<hbm>>, %arg5: memref<16384x128xf32, #tpu.memory_space<hbm>>, %arg6: memref<16384x128xf32, #tpu.memory_space<hbm>>, %arg7: memref<16384x128xf32, #tpu.memory_space<hbm>>, %arg8: memref<104x128xi32, #tpu.memory_space<vmem>>, %arg9: memref<2048x16xf32, #tpu.memory_space<vmem>>, %arg10: memref<!tpu.dma_semaphore, #tpu.memory_space<semaphore_mem>>, %arg11: memref<!tpu.dma_semaphore, #tpu.memory_space<semaphore_mem>>) attributes {dimension_semantics = [#tpu.dimension_semantics<core_parallel>, #tpu.dimension_semantics<subcore_parallel>], iteration_bounds = array<i64: 2, 16>, scalar_prefetch = 0 : i64, scratch_operands = 4 : i64, tpu.core_type = #tpu.core_type<sc_vector_subcore>, window_params = [{transform_indices = #map}, {transform_indices = #map1}, {transform_indices = #map}, {transform_indices = #map}, {transform_indices = #map}, {transform_indices = #map}]} {
    %mul3A = arith.constant 2 : i32
    %mul3A_0 = arith.muli %arg1, %mul3A : i32
    %add3A = arith.addi %mul3A_0, %arg0 : i32
    %mul3A_1 = arith.constant 104 : i32
    %mul3A_2 = arith.muli %add3A, %mul3A_1 : i32
    %mul3A_3 = arith.constant 13312 : i32
    %mul3A_4 = arith.muli %add3A, %mul3A_3 : i32
    "tpu.region"() ({
      %run_scoped3A = tpu.sem_alloc : memref<!tpu.dma_semaphore, #tpu.memory_space<semaphore_mem>>
      %dma_start3A = arith.constant 0 : i32
      %dma_start3A_45 = tpu.memref_slice %arg2[%mul3A_2, %dma_start3A] : memref<3328x128xi32, #tpu.memory_space<hbm>> -> memref<104x128xi32, #tpu.memory_space<hbm>>
      %dma_start3A_46 = arith.constant 0 : i32
      %dma_start3A_47 = tpu.memref_slice %arg2[%mul3A_2, %dma_start3A_46] : memref<3328x128xi32, #tpu.memory_space<hbm>> -> memref<104x128xi32, #tpu.memory_space<hbm>>
      tpu.enqueue_dma source(%dma_start3A_47 : memref<104x128xi32, #tpu.memory_space<hbm>>) target(%arg8 : memref<104x128xi32, #tpu.memory_space<vmem>>) target_semaphore(%run_scoped3A : memref<!tpu.dma_semaphore, #tpu.memory_space<semaphore_mem>>)
      %dma_wait3A_48 = arith.constant 0 : i32
      %dma_wait3A_49 = tpu.memref_slice %arg2[%mul3A_2, %dma_wait3A_48] : memref<3328x128xi32, #tpu.memory_space<hbm>> -> memref<104x128xi32, #tpu.memory_space<hbm>>
      %dma_wait3A_50 = arith.constant 0 : i32
      %dma_wait3A_51 = tpu.memref_slice %arg2[%mul3A_2, %dma_wait3A_50] : memref<3328x128xi32, #tpu.memory_space<hbm>> -> memref<104x128xi32, #tpu.memory_space<hbm>>
      tpu.wait_dma2 semaphore(%run_scoped3A : memref<!tpu.dma_semaphore, #tpu.memory_space<semaphore_mem>>) src(%dma_wait3A_51 : memref<104x128xi32, #tpu.memory_space<hbm>>) dst(%arg8 : memref<104x128xi32, #tpu.memory_space<vmem>>)
      tpu.yield
    }) : () -> ()
    %scan3A = arith.constant 0 : i32
    %scan3A_5 = arith.constant 0 : i32
    %scan3A_6 = arith.constant 104 : i32
    %scan3A_7 = arith.addi %scan3A_5, %scan3A_6 : i32
    %scan3A_8 = arith.constant 1 : i32
    scf.for %scan3A_45 = %scan3A_5 to %scan3A_7 step %scan3A_8  : i32 {
      %add3A_46 = arith.addi %mul3A_2, %scan3A_45 : i32
      %jit3A = arith.constant 128 : i32
      %div3A = arith.divsi %add3A_46, %jit3A : i32
      %sign3A = arith.constant 0 : i32
      %sign3A_47 = arith.cmpi sgt, %add3A_46, %sign3A : i32
      %sign3A_48 = arith.extui %sign3A_47 : i1 to i32
      %sign3A_49 = arith.constant 0 : i32
      %sign3A_50 = arith.cmpi slt, %add3A_46, %sign3A_49 : i32
      %sign3A_51 = arith.extui %sign3A_50 : i1 to i32
      %sign3A_52 = arith.subi %sign3A_48, %sign3A_51 : i32
      %sign3A_53 = arith.constant 0 : i32
      %sign3A_54 = arith.cmpi sgt, %jit3A, %sign3A_53 : i32
      %sign3A_55 = arith.extui %sign3A_54 : i1 to i32
      %sign3A_56 = arith.constant 0 : i32
      %sign3A_57 = arith.cmpi slt, %jit3A, %sign3A_56 : i32
      %sign3A_58 = arith.extui %sign3A_57 : i1 to i32
      %sign3A_59 = arith.subi %sign3A_55, %sign3A_58 : i32
      %ne3A = arith.cmpi ne, %sign3A_52, %sign3A_59 : i32
      %rem3A = arith.remsi %add3A_46, %jit3A : i32
      %ne3A_60 = arith.constant 0 : i32
      %ne3A_61 = arith.cmpi ne, %rem3A, %ne3A_60 : i32
      %and3A = arith.andi %ne3A, %ne3A_61 : i1
      %sub3A = arith.constant 1 : i32
      %sub3A_62 = arith.subi %div3A, %sub3A : i32
      %select_n3A = arith.select %and3A, %sub3A_62, %div3A : i32
      %and3A_63 = arith.constant 7 : i32
      %and3A_64 = arith.andi %select_n3A, %and3A_63 : i32
      %get3A = arith.index_cast %scan3A_45 : i32 to index
      %get3A_65 = arith.constant 0 : index
      %get3A_66 = tpu.vector_load %arg8[%get3A, %get3A_65] {strides = array<i32>} : memref<104x128xi32, #tpu.memory_space<vmem>>, vector<1x16xi32>,
      %get3A_67 = vector.shape_cast %get3A_66 : vector<1x16xi32> to vector<16xi32>
      %shift_left3A = arith.constant 3 : i32
      %shift_left3A_68 = vector.broadcast %shift_left3A : i32 to vector<16xi32>
      %shift_left3A_69 = arith.shli %get3A_67, %shift_left3A_68 : vector<16xi32>
      %add3A_70 = vector.broadcast %and3A_64 : i32 to vector<16xi32>
      %add3A_71 = arith.addi %shift_left3A_69, %add3A_70 : vector<16xi32>
      %swap3A = arith.index_cast %scan3A_45 : i32 to index
      %swap3A_72 = arith.constant 0 : index
      %swap3A_73 = tpu.vector_load %arg8[%swap3A, %swap3A_72] {strides = array<i32>} : memref<104x128xi32, #tpu.memory_space<vmem>>, vector<1x16xi32>,
      %swap3A_74 = vector.shape_cast %swap3A_73 : vector<1x16xi32> to vector<16xi32>
      %swap3A_75 = vector.shape_cast %add3A_71 : vector<16xi32> to vector<1x16xi32>
      tpu.vector_store %arg8[%swap3A, %swap3A_72], %swap3A_75 {strides = array<i32>} : memref<104x128xi32, #tpu.memory_space<vmem>>, vector<1x16xi32>,
      %get3A_76 = arith.index_cast %scan3A_45 : i32 to index
      %get3A_77 = arith.constant 16 : index
      %get3A_78 = tpu.vector_load %arg8[%get3A_76, %get3A_77] {strides = array<i32>} : memref<104x128xi32, #tpu.memory_space<vmem>>, vector<1x16xi32>,
      %get3A_79 = vector.shape_cast %get3A_78 : vector<1x16xi32> to vector<16xi32>
      %shift_left3A_80 = arith.constant 3 : i32
      %shift_left3A_81 = vector.broadcast %shift_left3A_80 : i32 to vector<16xi32>
      %shift_left3A_82 = arith.shli %get3A_79, %shift_left3A_81 : vector<16xi32>
      %add3A_83 = vector.broadcast %and3A_64 : i32 to vector<16xi32>
      %add3A_84 = arith.addi %shift_left3A_82, %add3A_83 : vector<16xi32>
      %swap3A_85 = arith.index_cast %scan3A_45 : i32 to index
      %swap3A_86 = arith.constant 16 : index
      %swap3A_87 = tpu.vector_load %arg8[%swap3A_85, %swap3A_86] {strides = array<i32>} : memref<104x128xi32, #tpu.memory_space<vmem>>, vector<1x16xi32>,
      %swap3A_88 = vector.shape_cast %swap3A_87 : vector<1x16xi32> to vector<16xi32>
      %swap3A_89 = vector.shape_cast %add3A_84 : vector<16xi32> to vector<1x16xi32>
      tpu.vector_store %arg8[%swap3A_85, %swap3A_86], %swap3A_89 {strides = array<i32>} : memref<104x128xi32, #tpu.memory_space<vmem>>, vector<1x16xi32>,
      %get3A_90 = arith.index_cast %scan3A_45 : i32 to index
      %get3A_91 = arith.constant 32 : index
      %get3A_92 = tpu.vector_load %arg8[%get3A_90, %get3A_91] {strides = array<i32>} : memref<104x128xi32, #tpu.memory_space<vmem>>, vector<1x16xi32>,
      %get3A_93 = vector.shape_cast %get3A_92 : vector<1x16xi32> to vector<16xi32>
      %shift_left3A_94 = arith.constant 3 : i32
      %shift_left3A_95 = vector.broadcast %shift_left3A_94 : i32 to vector<16xi32>
      %shift_left3A_96 = arith.shli %get3A_93, %shift_left3A_95 : vector<16xi32>
      %add3A_97 = vector.broadcast %and3A_64 : i32 to vector<16xi32>
      %add3A_98 = arith.addi %shift_left3A_96, %add3A_97 : vector<16xi32>
      %swap3A_99 = arith.index_cast %scan3A_45 : i32 to index
      %swap3A_100 = arith.constant 32 : index
      %swap3A_101 = tpu.vector_load %arg8[%swap3A_99, %swap3A_100] {strides = array<i32>} : memref<104x128xi32, #tpu.memory_space<vmem>>, vector<1x16xi32>,
      %swap3A_102 = vector.shape_cast %swap3A_101 : vector<1x16xi32> to vector<16xi32>
      %swap3A_103 = vector.shape_cast %add3A_98 : vector<16xi32> to vector<1x16xi32>
      tpu.vector_store %arg8[%swap3A_99, %swap3A_100], %swap3A_103 {strides = array<i32>} : memref<104x128xi32, #tpu.memory_space<vmem>>, vector<1x16xi32>,
      %get3A_104 = arith.index_cast %scan3A_45 : i32 to index
      %get3A_105 = arith.constant 48 : index
      %get3A_106 = tpu.vector_load %arg8[%get3A_104, %get3A_105] {strides = array<i32>} : memref<104x128xi32, #tpu.memory_space<vmem>>, vector<1x16xi32>,
      %get3A_107 = vector.shape_cast %get3A_106 : vector<1x16xi32> to vector<16xi32>
      %shift_left3A_108 = arith.constant 3 : i32
      %shift_left3A_109 = vector.broadcast %shift_left3A_108 : i32 to vector<16xi32>
      %shift_left3A_110 = arith.shli %get3A_107, %shift_left3A_109 : vector<16xi32>
      %add3A_111 = vector.broadcast %and3A_64 : i32 to vector<16xi32>
      %add3A_112 = arith.addi %shift_left3A_110, %add3A_111 : vector<16xi32>
      %swap3A_113 = arith.index_cast %scan3A_45 : i32 to index
      %swap3A_114 = arith.constant 48 : index
      %swap3A_115 = tpu.vector_load %arg8[%swap3A_113, %swap3A_114] {strides = array<i32>} : memref<104x128xi32, #tpu.memory_space<vmem>>, vector<1x16xi32>,
      %swap3A_116 = vector.shape_cast %swap3A_115 : vector<1x16xi32> to vector<16xi32>
      %swap3A_117 = vector.shape_cast %add3A_112 : vector<16xi32> to vector<1x16xi32>
      tpu.vector_store %arg8[%swap3A_113, %swap3A_114], %swap3A_117 {strides = array<i32>} : memref<104x128xi32, #tpu.memory_space<vmem>>, vector<1x16xi32>,
      %get3A_118 = arith.index_cast %scan3A_45 : i32 to index
      %get3A_119 = arith.constant 64 : index
      %get3A_120 = tpu.vector_load %arg8[%get3A_118, %get3A_119] {strides = array<i32>} : memref<104x128xi32, #tpu.memory_space<vmem>>, vector<1x16xi32>,
      %get3A_121 = vector.shape_cast %get3A_120 : vector<1x16xi32> to vector<16xi32>
      %shift_left3A_122 = arith.constant 3 : i32
      %shift_left3A_123 = vector.broadcast %shift_left3A_122 : i32 to vector<16xi32>
      %shift_left3A_124 = arith.shli %get3A_121, %shift_left3A_123 : vector<16xi32>
      %add3A_125 = vector.broadcast %and3A_64 : i32 to vector<16xi32>
      %add3A_126 = arith.addi %shift_left3A_124, %add3A_125 : vector<16xi32>
      %swap3A_127 = arith.index_cast %scan3A_45 : i32 to index
      %swap3A_128 = arith.constant 64 : index
      %swap3A_129 = tpu.vector_load %arg8[%swap3A_127, %swap3A_128] {strides = array<i32>} : memref<104x128xi32, #tpu.memory_space<vmem>>, vector<1x16xi32>,
      %swap3A_130 = vector.shape_cast %swap3A_129 : vector<1x16xi32> to vector<16xi32>
      %swap3A_131 = vector.shape_cast %add3A_126 : vector<16xi32> to vector<1x16xi32>
      tpu.vector_store %arg8[%swap3A_127, %swap3A_128], %swap3A_131 {strides = array<i32>} : memref<104x128xi32, #tpu.memory_space<vmem>>, vector<1x16xi32>,
      %get3A_132 = arith.index_cast %scan3A_45 : i32 to index
      %get3A_133 = arith.constant 80 : index
      %get3A_134 = tpu.vector_load %arg8[%get3A_132, %get3A_133] {strides = array<i32>} : memref<104x128xi32, #tpu.memory_space<vmem>>, vector<1x16xi32>,
      %get3A_135 = vector.shape_cast %get3A_134 : vector<1x16xi32> to vector<16xi32>
      %shift_left3A_136 = arith.constant 3 : i32
      %shift_left3A_137 = vector.broadcast %shift_left3A_136 : i32 to vector<16xi32>
      %shift_left3A_138 = arith.shli %get3A_135, %shift_left3A_137 : vector<16xi32>
      %add3A_139 = vector.broadcast %and3A_64 : i32 to vector<16xi32>
      %add3A_140 = arith.addi %shift_left3A_138, %add3A_139 : vector<16xi32>
      %swap3A_141 = arith.index_cast %scan3A_45 : i32 to index
      %swap3A_142 = arith.constant 80 : index
      %swap3A_143 = tpu.vector_load %arg8[%swap3A_141, %swap3A_142] {strides = array<i32>} : memref<104x128xi32, #tpu.memory_space<vmem>>, vector<1x16xi32>,
      %swap3A_144 = vector.shape_cast %swap3A_143 : vector<1x16xi32> to vector<16xi32>
      %swap3A_145 = vector.shape_cast %add3A_140 : vector<16xi32> to vector<1x16xi32>
      tpu.vector_store %arg8[%swap3A_141, %swap3A_142], %swap3A_145 {strides = array<i32>} : memref<104x128xi32, #tpu.memory_space<vmem>>, vector<1x16xi32>,
      %get3A_146 = arith.index_cast %scan3A_45 : i32 to index
      %get3A_147 = arith.constant 96 : index
      %get3A_148 = tpu.vector_load %arg8[%get3A_146, %get3A_147] {strides = array<i32>} : memref<104x128xi32, #tpu.memory_space<vmem>>, vector<1x16xi32>,
      %get3A_149 = vector.shape_cast %get3A_148 : vector<1x16xi32> to vector<16xi32>
      %shift_left3A_150 = arith.constant 3 : i32
      %shift_left3A_151 = vector.broadcast %shift_left3A_150 : i32 to vector<16xi32>
      %shift_left3A_152 = arith.shli %get3A_149, %shift_left3A_151 : vector<16xi32>
      %add3A_153 = vector.broadcast %and3A_64 : i32 to vector<16xi32>
      %add3A_154 = arith.addi %shift_left3A_152, %add3A_153 : vector<16xi32>
      %swap3A_155 = arith.index_cast %scan3A_45 : i32 to index
      %swap3A_156 = arith.constant 96 : index
      %swap3A_157 = tpu.vector_load %arg8[%swap3A_155, %swap3A_156] {strides = array<i32>} : memref<104x128xi32, #tpu.memory_space<vmem>>, vector<1x16xi32>,
      %swap3A_158 = vector.shape_cast %swap3A_157 : vector<1x16xi32> to vector<16xi32>
      %swap3A_159 = vector.shape_cast %add3A_154 : vector<16xi32> to vector<1x16xi32>
      tpu.vector_store %arg8[%swap3A_155, %swap3A_156], %swap3A_159 {strides = array<i32>} : memref<104x128xi32, #tpu.memory_space<vmem>>, vector<1x16xi32>,
      %get3A_160 = arith.index_cast %scan3A_45 : i32 to index
      %get3A_161 = arith.constant 112 : index
      %get3A_162 = tpu.vector_load %arg8[%get3A_160, %get3A_161] {strides = array<i32>} : memref<104x128xi32, #tpu.memory_space<vmem>>, vector<1x16xi32>,
      %get3A_163 = vector.shape_cast %get3A_162 : vector<1x16xi32> to vector<16xi32>
      %shift_left3A_164 = arith.constant 3 : i32
      %shift_left3A_165 = vector.broadcast %shift_left3A_164 : i32 to vector<16xi32>
      %shift_left3A_166 = arith.shli %get3A_163, %shift_left3A_165 : vector<16xi32>
      %add3A_167 = vector.broadcast %and3A_64 : i32 to vector<16xi32>
      %add3A_168 = arith.addi %shift_left3A_166, %add3A_167 : vector<16xi32>
      %swap3A_169 = arith.index_cast %scan3A_45 : i32 to index
      %swap3A_170 = arith.constant 112 : index
      %swap3A_171 = tpu.vector_load %arg8[%swap3A_169, %swap3A_170] {strides = array<i32>} : memref<104x128xi32, #tpu.memory_space<vmem>>, vector<1x16xi32>,
      %swap3A_172 = vector.shape_cast %swap3A_171 : vector<1x16xi32> to vector<16xi32>
      %swap3A_173 = vector.shape_cast %add3A_168 : vector<16xi32> to vector<1x16xi32>
      tpu.vector_store %arg8[%swap3A_169, %swap3A_170], %swap3A_173 {strides = array<i32>} : memref<104x128xi32, #tpu.memory_space<vmem>>, vector<1x16xi32>,
    }
    %scan3A_9 = arith.constant 104 : i32
    %scan3A_10 = arith.constant 0 : i32
    %scan3A_11 = arith.constant 0 : i32
    %scan3A_12 = arith.constant 13 : i32
    %scan3A_13 = arith.addi %scan3A_11, %scan3A_12 : i32
    %scan3A_14 = arith.constant 1 : i32
    scf.for %scan3A_45 = %scan3A_11 to %scan3A_13 step %scan3A_14  : i32 {
      %jit3A = arith.constant 2 : i32
      %eq3A = arith.constant 0 : i32
      %eq3A_46 = arith.cmpi eq, %jit3A, %eq3A : i32
      %jit3A_47 = arith.constant 1 : i32
      %select_n3A = arith.select %eq3A_46, %jit3A_47, %jit3A : i32
      %rem3A = arith.remsi %scan3A_45, %select_n3A : i32
      %ne3A = arith.constant 0 : i32
      %ne3A_48 = arith.cmpi ne, %rem3A, %ne3A : i32
      %lt3A = arith.constant 0 : i32
      %lt3A_49 = arith.cmpi slt, %rem3A, %lt3A : i32
      %lt3A_50 = arith.constant 0 : i32
      %lt3A_51 = arith.cmpi slt, %select_n3A, %lt3A_50 : i32
      %ne3A_52 = arith.xori %lt3A_49, %lt3A_51 : i1
      %and3A = arith.andi %ne3A_52, %ne3A_48 : i1
      %add3A_53 = arith.addi %rem3A, %select_n3A : i32
      %select_n3A_54 = arith.select %and3A, %add3A_53, %rem3A : i32
      %mul3A_55 = arith.constant 1024 : i32
      %mul3A_56 = arith.muli %select_n3A_54, %mul3A_55 : i32
      %mul3A_57 = arith.constant 1024 : i32
      %mul3A_58 = arith.muli %scan3A_45, %mul3A_57 : i32
      %add3A_59 = arith.addi %mul3A_4, %mul3A_58 : i32
      %jit3A_60 = arith.constant 16384 : i32
      %div3A = arith.divsi %add3A_59, %jit3A_60 : i32
      %sign3A = arith.constant 0 : i32
      %sign3A_61 = arith.cmpi sgt, %add3A_59, %sign3A : i32
      %sign3A_62 = arith.extui %sign3A_61 : i1 to i32
      %sign3A_63 = arith.constant 0 : i32
      %sign3A_64 = arith.cmpi slt, %add3A_59, %sign3A_63 : i32
      %sign3A_65 = arith.extui %sign3A_64 : i1 to i32
      %sign3A_66 = arith.subi %sign3A_62, %sign3A_65 : i32
      %sign3A_67 = arith.constant 0 : i32
      %sign3A_68 = arith.cmpi sgt, %jit3A_60, %sign3A_67 : i32
      %sign3A_69 = arith.extui %sign3A_68 : i1 to i32
      %sign3A_70 = arith.constant 0 : i32
      %sign3A_71 = arith.cmpi slt, %jit3A_60, %sign3A_70 : i32
      %sign3A_72 = arith.extui %sign3A_71 : i1 to i32
      %sign3A_73 = arith.subi %sign3A_69, %sign3A_72 : i32
      %ne3A_74 = arith.cmpi ne, %sign3A_66, %sign3A_73 : i32
      %rem3A_75 = arith.remsi %add3A_59, %jit3A_60 : i32
      %ne3A_76 = arith.constant 0 : i32
      %ne3A_77 = arith.cmpi ne, %rem3A_75, %ne3A_76 : i32
      %and3A_78 = arith.andi %ne3A_74, %ne3A_77 : i1
      %sub3A = arith.constant 1 : i32
      %sub3A_79 = arith.subi %div3A, %sub3A : i32
      %select_n3A_80 = arith.select %and3A_78, %sub3A_79, %div3A : i32
      %mul3A_81 = arith.constant 16384 : i32
      %mul3A_82 = arith.muli %select_n3A_80, %mul3A_81 : i32
      %sub3A_83 = arith.subi %add3A_59, %mul3A_82 : i32
      %ge3A = arith.constant 2 : i32
      %ge3A_84 = arith.cmpi sge, %scan3A_45, %ge3A : i32
      %convert_element_type3A = arith.extui %ge3A_84 : i1 to i32
      %cond3A = arith.constant 0 : i32
      %cond3A_85 = arith.cmpi ne, %convert_element_type3A, %cond3A : i32
      scf.if %cond3A_85 {
        %dma_wait3A_570 = arith.constant 0 : i32
        %dma_wait3A_571 = arith.constant 0 : i32
        %dma_wait3A_572 = arith.constant 0 : i32
        %dma_wait3A_573 = tpu.memref_slice %arg9[%dma_wait3A_571, %dma_wait3A_572] : memref<2048x16xf32, #tpu.memory_space<vmem>> -> memref<1024x16xf32, #tpu.memory_space<vmem>>
        %dma_wait3A_574 = arith.constant 0 : i32
        %dma_wait3A_575 = arith.constant 0 : i32
        %dma_wait3A_576 = tpu.memref_slice %arg3[%dma_wait3A_570, %dma_wait3A_574, %dma_wait3A_575] : memref<4x802816x16xf32, #tpu.memory_space<hbm>> -> memref<1x1024x16xf32, #tpu.memory_space<hbm>>
        %dma_wait3A_577 = tpu.memref_squeeze %dma_wait3A_576 : memref<1x1024x16xf32, #tpu.memory_space<hbm>> -> memref<1024x16xf32, #tpu.memory_space<hbm>>
        %dma_wait3A_578 = arith.constant 0 : i32
        %dma_wait3A_579 = arith.constant 0 : i32
        %dma_wait3A_580 = tpu.memref_slice %arg9[%dma_wait3A_578, %dma_wait3A_579] : memref<2048x16xf32, #tpu.memory_space<vmem>> -> memref<1024x16xf32, #tpu.memory_space<vmem>>
        %dma_wait3A_581 = arith.constant 0 : i32
        %dma_wait3A_582 = arith.constant 0 : i32
        %dma_wait3A_583 = tpu.memref_slice %arg3[%dma_wait3A_570, %dma_wait3A_581, %dma_wait3A_582] : memref<4x802816x16xf32, #tpu.memory_space<hbm>> -> memref<1x1024x16xf32, #tpu.memory_space<hbm>>
        %dma_wait3A_584 = tpu.memref_squeeze %dma_wait3A_583 : memref<1x1024x16xf32, #tpu.memory_space<hbm>> -> memref<1024x16xf32, #tpu.memory_space<hbm>>
        tpu.wait_dma2 semaphore(%arg11 : memref<!tpu.dma_semaphore, #tpu.memory_space<semaphore_mem>>) src(%dma_wait3A_584 : memref<1024x16xf32, #tpu.memory_space<hbm>>) dst(%dma_wait3A_580 : memref<1024x16xf32, #tpu.memory_space<vmem>>)
      } else {
      }
      %mul3A_86 = arith.constant 8 : i32
      %mul3A_87 = arith.muli %scan3A_45, %mul3A_86 : i32
      %add3A_88 = arith.constant 0 : i32
      %add3A_89 = arith.addi %mul3A_87, %add3A_88 : i32
      %jit3A_90 = arith.constant 8 : i32
      %div3A_91 = arith.divsi %select_n3A_80, %jit3A_90 : i32
      %sign3A_92 = arith.constant 0 : i32
      %sign3A_93 = arith.cmpi sgt, %select_n3A_80, %sign3A_92 : i32
      %sign3A_94 = arith.extui %sign3A_93 : i1 to i32
      %sign3A_95 = arith.constant 0 : i32
      %sign3A_96 = arith.cmpi slt, %select_n3A_80, %sign3A_95 : i32
      %sign3A_97 = arith.extui %sign3A_96 : i1 to i32
      %sign3A_98 = arith.subi %sign3A_94, %sign3A_97 : i32
      %sign3A_99 = arith.constant 0 : i32
      %sign3A_100 = arith.cmpi sgt, %jit3A_90, %sign3A_99 : i32
      %sign3A_101 = arith.extui %sign3A_100 : i1 to i32
      %sign3A_102 = arith.constant 0 : i32
      %sign3A_103 = arith.cmpi slt, %jit3A_90, %sign3A_102 : i32
      %sign3A_104 = arith.extui %sign3A_103 : i1 to i32
      %sign3A_105 = arith.subi %sign3A_101, %sign3A_104 : i32
      %ne3A_106 = arith.cmpi ne, %sign3A_98, %sign3A_105 : i32
      %rem3A_107 = arith.remsi %select_n3A_80, %jit3A_90 : i32
      %ne3A_108 = arith.constant 0 : i32
      %ne3A_109 = arith.cmpi ne, %rem3A_107, %ne3A_108 : i32
      %and3A_110 = arith.andi %ne3A_106, %ne3A_109 : i1
      %sub3A_111 = arith.constant 1 : i32
      %sub3A_112 = arith.subi %div3A_91, %sub3A_111 : i32
      %select_n3A_113 = arith.select %and3A_110, %sub3A_112, %div3A_91 : i32
      %add3A_114 = arith.constant 0 : i32
      %add3A_115 = arith.addi %mul3A_56, %add3A_114 : i32
      %dma_start3A = arith.constant 0 : i32
      %dma_start3A_116 = tpu.memref_slice %arg9[%add3A_115, %dma_start3A] : memref<2048x16xf32, #tpu.memory_space<vmem>> -> memref<128x16xf32, #tpu.memory_space<vmem>>
      %dma_start3A_117 = arith.constant 0 : i32
      %dma_start3A_118 = tpu.memref_slice %arg8[%add3A_89, %dma_start3A_117] : memref<104x128xi32, #tpu.memory_space<vmem>> -> memref<1x128xi32, #tpu.memory_space<vmem>>
      %dma_start3A_119 = tpu.memref_squeeze %dma_start3A_118 : memref<1x128xi32, #tpu.memory_space<vmem>> -> memref<128xi32, #tpu.memory_space<vmem>>
      %dma_start3A_120 = arith.constant 0 : i32
      %dma_start3A_121 = arith.constant 0 : i32
      %dma_start3A_122 = tpu.memref_slice %arg3[%select_n3A_113, %dma_start3A_120, %dma_start3A_121] : memref<4x802816x16xf32, #tpu.memory_space<hbm>> -> memref<1x802816x16xf32, #tpu.memory_space<hbm>>
      %dma_start3A_123 = tpu.memref_squeeze %dma_start3A_122 : memref<1x802816x16xf32, #tpu.memory_space<hbm>> -> memref<802816x16xf32, #tpu.memory_space<hbm>>
      %dma_start3A_124 = arith.constant 0 : i32
      %dma_start3A_125 = arith.constant 0 : i32
      %dma_start3A_126 = tpu.memref_slice %dma_start3A_123[%dma_start3A_124, %dma_start3A_125] : memref<802816x16xf32, #tpu.memory_space<hbm>> -> memref<802816x16xf32, #tpu.memory_space<hbm>>
      tpu.enqueue_indirect_dma source(%dma_start3A_126 : memref<802816x16xf32, #tpu.memory_space<hbm>>) target(%dma_start3A_116 : memref<128x16xf32, #tpu.memory_space<vmem>>) offsets(%dma_start3A_119 : memref<128xi32, #tpu.memory_space<vmem>>) semaphore(%arg10 : memref<!tpu.dma_semaphore, #tpu.memory_space<semaphore_mem>>)
      %mul3A_127 = arith.constant 8 : i32
      %mul3A_128 = arith.muli %scan3A_45, %mul3A_127 : i32
      %add3A_129 = arith.constant 1 : i32
      %add3A_130 = arith.addi %mul3A_128, %add3A_129 : i32
      %jit3A_131 = arith.constant 8 : i32
      %div3A_132 = arith.divsi %select_n3A_80, %jit3A_131 : i32
      %sign3A_133 = arith.constant 0 : i32
      %sign3A_134 = arith.cmpi sgt, %select_n3A_80, %sign3A_133 : i32
      %sign3A_135 = arith.extui %sign3A_134 : i1 to i32
      %sign3A_136 = arith.constant 0 : i32
      %sign3A_137 = arith.cmpi slt, %select_n3A_80, %sign3A_136 : i32
      %sign3A_138 = arith.extui %sign3A_137 : i1 to i32
      %sign3A_139 = arith.subi %sign3A_135, %sign3A_138 : i32
      %sign3A_140 = arith.constant 0 : i32
      %sign3A_141 = arith.cmpi sgt, %jit3A_131, %sign3A_140 : i32
      %sign3A_142 = arith.extui %sign3A_141 : i1 to i32
      %sign3A_143 = arith.constant 0 : i32
      %sign3A_144 = arith.cmpi slt, %jit3A_131, %sign3A_143 : i32
      %sign3A_145 = arith.extui %sign3A_144 : i1 to i32
      %sign3A_146 = arith.subi %sign3A_142, %sign3A_145 : i32
      %ne3A_147 = arith.cmpi ne, %sign3A_139, %sign3A_146 : i32
      %rem3A_148 = arith.remsi %select_n3A_80, %jit3A_131 : i32
      %ne3A_149 = arith.constant 0 : i32
      %ne3A_150 = arith.cmpi ne, %rem3A_148, %ne3A_149 : i32
      %and3A_151 = arith.andi %ne3A_147, %ne3A_150 : i1
      %sub3A_152 = arith.constant 1 : i32
      %sub3A_153 = arith.subi %div3A_132, %sub3A_152 : i32
      %select_n3A_154 = arith.select %and3A_151, %sub3A_153, %div3A_132 : i32
      %add3A_155 = arith.constant 128 : i32
      %add3A_156 = arith.addi %mul3A_56, %add3A_155 : i32
      %dma_start3A_157 = arith.constant 0 : i32
      %dma_start3A_158 = tpu.memref_slice %arg9[%add3A_156, %dma_start3A_157] : memref<2048x16xf32, #tpu.memory_space<vmem>> -> memref<128x16xf32, #tpu.memory_space<vmem>>
      %dma_start3A_159 = arith.constant 0 : i32
      %dma_start3A_160 = tpu.memref_slice %arg8[%add3A_130, %dma_start3A_159] : memref<104x128xi32, #tpu.memory_space<vmem>> -> memref<1x128xi32, #tpu.memory_space<vmem>>
      %dma_start3A_161 = tpu.memref_squeeze %dma_start3A_160 : memref<1x128xi32, #tpu.memory_space<vmem>> -> memref<128xi32, #tpu.memory_space<vmem>>
      %dma_start3A_162 = arith.constant 0 : i32
      %dma_start3A_163 = arith.constant 0 : i32
      %dma_start3A_164 = tpu.memref_slice %arg3[%select_n3A_154, %dma_start3A_162, %dma_start3A_163] : memref<4x802816x16xf32, #tpu.memory_space<hbm>> -> memref<1x802816x16xf32, #tpu.memory_space<hbm>>
      %dma_start3A_165 = tpu.memref_squeeze %dma_start3A_164 : memref<1x802816x16xf32, #tpu.memory_space<hbm>> -> memref<802816x16xf32, #tpu.memory_space<hbm>>
      %dma_start3A_166 = arith.constant 0 : i32
      %dma_start3A_167 = arith.constant 0 : i32
      %dma_start3A_168 = tpu.memref_slice %dma_start3A_165[%dma_start3A_166, %dma_start3A_167] : memref<802816x16xf32, #tpu.memory_space<hbm>> -> memref<802816x16xf32, #tpu.memory_space<hbm>>
      tpu.enqueue_indirect_dma source(%dma_start3A_168 : memref<802816x16xf32, #tpu.memory_space<hbm>>) target(%dma_start3A_158 : memref<128x16xf32, #tpu.memory_space<vmem>>) offsets(%dma_start3A_161 : memref<128xi32, #tpu.memory_space<vmem>>) semaphore(%arg10 : memref<!tpu.dma_semaphore, #tpu.memory_space<semaphore_mem>>)
      %mul3A_169 = arith.constant 8 : i32
      %mul3A_170 = arith.muli %scan3A_45, %mul3A_169 : i32
      %add3A_171 = arith.constant 2 : i32
      %add3A_172 = arith.addi %mul3A_170, %add3A_171 : i32
      %jit3A_173 = arith.constant 8 : i32
      %div3A_174 = arith.divsi %select_n3A_80, %jit3A_173 : i32
      %sign3A_175 = arith.constant 0 : i32
      %sign3A_176 = arith.cmpi sgt, %select_n3A_80, %sign3A_175 : i32
      %sign3A_177 = arith.extui %sign3A_176 : i1 to i32
      %sign3A_178 = arith.constant 0 : i32
      %sign3A_179 = arith.cmpi slt, %select_n3A_80, %sign3A_178 : i32
      %sign3A_180 = arith.extui %sign3A_179 : i1 to i32
      %sign3A_181 = arith.subi %sign3A_177, %sign3A_180 : i32
      %sign3A_182 = arith.constant 0 : i32
      %sign3A_183 = arith.cmpi sgt, %jit3A_173, %sign3A_182 : i32
      %sign3A_184 = arith.extui %sign3A_183 : i1 to i32
      %sign3A_185 = arith.constant 0 : i32
      %sign3A_186 = arith.cmpi slt, %jit3A_173, %sign3A_185 : i32
      %sign3A_187 = arith.extui %sign3A_186 : i1 to i32
      %sign3A_188 = arith.subi %sign3A_184, %sign3A_187 : i32
      %ne3A_189 = arith.cmpi ne, %sign3A_181, %sign3A_188 : i32
      %rem3A_190 = arith.remsi %select_n3A_80, %jit3A_173 : i32
      %ne3A_191 = arith.constant 0 : i32
      %ne3A_192 = arith.cmpi ne, %rem3A_190, %ne3A_191 : i32
      %and3A_193 = arith.andi %ne3A_189, %ne3A_192 : i1
      %sub3A_194 = arith.constant 1 : i32
      %sub3A_195 = arith.subi %div3A_174, %sub3A_194 : i32
      %select_n3A_196 = arith.select %and3A_193, %sub3A_195, %div3A_174 : i32
      %add3A_197 = arith.constant 256 : i32
      %add3A_198 = arith.addi %mul3A_56, %add3A_197 : i32
      %dma_start3A_199 = arith.constant 0 : i32
      %dma_start3A_200 = tpu.memref_slice %arg9[%add3A_198, %dma_start3A_199] : memref<2048x16xf32, #tpu.memory_space<vmem>> -> memref<128x16xf32, #tpu.memory_space<vmem>>
      %dma_start3A_201 = arith.constant 0 : i32
      %dma_start3A_202 = tpu.memref_slice %arg8[%add3A_172, %dma_start3A_201] : memref<104x128xi32, #tpu.memory_space<vmem>> -> memref<1x128xi32, #tpu.memory_space<vmem>>
      %dma_start3A_203 = tpu.memref_squeeze %dma_start3A_202 : memref<1x128xi32, #tpu.memory_space<vmem>> -> memref<128xi32, #tpu.memory_space<vmem>>
      %dma_start3A_204 = arith.constant 0 : i32
      %dma_start3A_205 = arith.constant 0 : i32
      %dma_start3A_206 = tpu.memref_slice %arg3[%select_n3A_196, %dma_start3A_204, %dma_start3A_205] : memref<4x802816x16xf32, #tpu.memory_space<hbm>> -> memref<1x802816x16xf32, #tpu.memory_space<hbm>>
      %dma_start3A_207 = tpu.memref_squeeze %dma_start3A_206 : memref<1x802816x16xf32, #tpu.memory_space<hbm>> -> memref<802816x16xf32, #tpu.memory_space<hbm>>
      %dma_start3A_208 = arith.constant 0 : i32
      %dma_start3A_209 = arith.constant 0 : i32
      %dma_start3A_210 = tpu.memref_slice %dma_start3A_207[%dma_start3A_208, %dma_start3A_209] : memref<802816x16xf32, #tpu.memory_space<hbm>> -> memref<802816x16xf32, #tpu.memory_space<hbm>>
      tpu.enqueue_indirect_dma source(%dma_start3A_210 : memref<802816x16xf32, #tpu.memory_space<hbm>>) target(%dma_start3A_200 : memref<128x16xf32, #tpu.memory_space<vmem>>) offsets(%dma_start3A_203 : memref<128xi32, #tpu.memory_space<vmem>>) semaphore(%arg10 : memref<!tpu.dma_semaphore, #tpu.memory_space<semaphore_mem>>)
      %mul3A_211 = arith.constant 8 : i32
      %mul3A_212 = arith.muli %scan3A_45, %mul3A_211 : i32
      %add3A_213 = arith.constant 3 : i32
      %add3A_214 = arith.addi %mul3A_212, %add3A_213 : i32
      %jit3A_215 = arith.constant 8 : i32
      %div3A_216 = arith.divsi %select_n3A_80, %jit3A_215 : i32
      %sign3A_217 = arith.constant 0 : i32
      %sign3A_218 = arith.cmpi sgt, %select_n3A_80, %sign3A_217 : i32
      %sign3A_219 = arith.extui %sign3A_218 : i1 to i32
      %sign3A_220 = arith.constant 0 : i32
      %sign3A_221 = arith.cmpi slt, %select_n3A_80, %sign3A_220 : i32
      %sign3A_222 = arith.extui %sign3A_221 : i1 to i32
      %sign3A_223 = arith.subi %sign3A_219, %sign3A_222 : i32
      %sign3A_224 = arith.constant 0 : i32
      %sign3A_225 = arith.cmpi sgt, %jit3A_215, %sign3A_224 : i32
      %sign3A_226 = arith.extui %sign3A_225 : i1 to i32
      %sign3A_227 = arith.constant 0 : i32
      %sign3A_228 = arith.cmpi slt, %jit3A_215, %sign3A_227 : i32
      %sign3A_229 = arith.extui %sign3A_228 : i1 to i32
      %sign3A_230 = arith.subi %sign3A_226, %sign3A_229 : i32
      %ne3A_231 = arith.cmpi ne, %sign3A_223, %sign3A_230 : i32
      %rem3A_232 = arith.remsi %select_n3A_80, %jit3A_215 : i32
      %ne3A_233 = arith.constant 0 : i32
      %ne3A_234 = arith.cmpi ne, %rem3A_232, %ne3A_233 : i32
      %and3A_235 = arith.andi %ne3A_231, %ne3A_234 : i1
      %sub3A_236 = arith.constant 1 : i32
      %sub3A_237 = arith.subi %div3A_216, %sub3A_236 : i32
      %select_n3A_238 = arith.select %and3A_235, %sub3A_237, %div3A_216 : i32
      %add3A_239 = arith.constant 384 : i32
      %add3A_240 = arith.addi %mul3A_56, %add3A_239 : i32
      %dma_start3A_241 = arith.constant 0 : i32
      %dma_start3A_242 = tpu.memref_slice %arg9[%add3A_240, %dma_start3A_241] : memref<2048x16xf32, #tpu.memory_space<vmem>> -> memref<128x16xf32, #tpu.memory_space<vmem>>
      %dma_start3A_243 = arith.constant 0 : i32
      %dma_start3A_244 = tpu.memref_slice %arg8[%add3A_214, %dma_start3A_243] : memref<104x128xi32, #tpu.memory_space<vmem>> -> memref<1x128xi32, #tpu.memory_space<vmem>>
      %dma_start3A_245 = tpu.memref_squeeze %dma_start3A_244 : memref<1x128xi32, #tpu.memory_space<vmem>> -> memref<128xi32, #tpu.memory_space<vmem>>
      %dma_start3A_246 = arith.constant 0 : i32
      %dma_start3A_247 = arith.constant 0 : i32
      %dma_start3A_248 = tpu.memref_slice %arg3[%select_n3A_238, %dma_start3A_246, %dma_start3A_247] : memref<4x802816x16xf32, #tpu.memory_space<hbm>> -> memref<1x802816x16xf32, #tpu.memory_space<hbm>>
      %dma_start3A_249 = tpu.memref_squeeze %dma_start3A_248 : memref<1x802816x16xf32, #tpu.memory_space<hbm>> -> memref<802816x16xf32, #tpu.memory_space<hbm>>
      %dma_start3A_250 = arith.constant 0 : i32
      %dma_start3A_251 = arith.constant 0 : i32
      %dma_start3A_252 = tpu.memref_slice %dma_start3A_249[%dma_start3A_250, %dma_start3A_251] : memref<802816x16xf32, #tpu.memory_space<hbm>> -> memref<802816x16xf32, #tpu.memory_space<hbm>>
      tpu.enqueue_indirect_dma source(%dma_start3A_252 : memref<802816x16xf32, #tpu.memory_space<hbm>>) target(%dma_start3A_242 : memref<128x16xf32, #tpu.memory_space<vmem>>) offsets(%dma_start3A_245 : memref<128xi32, #tpu.memory_space<vmem>>) semaphore(%arg10 : memref<!tpu.dma_semaphore, #tpu.memory_space<semaphore_mem>>)
      %mul3A_253 = arith.constant 8 : i32
      %mul3A_254 = arith.muli %scan3A_45, %mul3A_253 : i32
      %add3A_255 = arith.constant 4 : i32
      %add3A_256 = arith.addi %mul3A_254, %add3A_255 : i32
      %jit3A_257 = arith.constant 8 : i32
      %div3A_258 = arith.divsi %select_n3A_80, %jit3A_257 : i32
      %sign3A_259 = arith.constant 0 : i32
      %sign3A_260 = arith.cmpi sgt, %select_n3A_80, %sign3A_259 : i32
      %sign3A_261 = arith.extui %sign3A_260 : i1 to i32
      %sign3A_262 = arith.constant 0 : i32
      %sign3A_263 = arith.cmpi slt, %select_n3A_80, %sign3A_262 : i32
      %sign3A_264 = arith.extui %sign3A_263 : i1 to i32
      %sign3A_265 = arith.subi %sign3A_261, %sign3A_264 : i32
      %sign3A_266 = arith.constant 0 : i32
      %sign3A_267 = arith.cmpi sgt, %jit3A_257, %sign3A_266 : i32
      %sign3A_268 = arith.extui %sign3A_267 : i1 to i32
      %sign3A_269 = arith.constant 0 : i32
      %sign3A_270 = arith.cmpi slt, %jit3A_257, %sign3A_269 : i32
      %sign3A_271 = arith.extui %sign3A_270 : i1 to i32
      %sign3A_272 = arith.subi %sign3A_268, %sign3A_271 : i32
      %ne3A_273 = arith.cmpi ne, %sign3A_265, %sign3A_272 : i32
      %rem3A_274 = arith.remsi %select_n3A_80, %jit3A_257 : i32
      %ne3A_275 = arith.constant 0 : i32
      %ne3A_276 = arith.cmpi ne, %rem3A_274, %ne3A_275 : i32
      %and3A_277 = arith.andi %ne3A_273, %ne3A_276 : i1
      %sub3A_278 = arith.constant 1 : i32
      %sub3A_279 = arith.subi %div3A_258, %sub3A_278 : i32
      %select_n3A_280 = arith.select %and3A_277, %sub3A_279, %div3A_258 : i32
      %add3A_281 = arith.constant 512 : i32
      %add3A_282 = arith.addi %mul3A_56, %add3A_281 : i32
      %dma_start3A_283 = arith.constant 0 : i32
      %dma_start3A_284 = tpu.memref_slice %arg9[%add3A_282, %dma_start3A_283] : memref<2048x16xf32, #tpu.memory_space<vmem>> -> memref<128x16xf32, #tpu.memory_space<vmem>>
      %dma_start3A_285 = arith.constant 0 : i32
      %dma_start3A_286 = tpu.memref_slice %arg8[%add3A_256, %dma_start3A_285] : memref<104x128xi32, #tpu.memory_space<vmem>> -> memref<1x128xi32, #tpu.memory_space<vmem>>
      %dma_start3A_287 = tpu.memref_squeeze %dma_start3A_286 : memref<1x128xi32, #tpu.memory_space<vmem>> -> memref<128xi32, #tpu.memory_space<vmem>>
      %dma_start3A_288 = arith.constant 0 : i32
      %dma_start3A_289 = arith.constant 0 : i32
      %dma_start3A_290 = tpu.memref_slice %arg3[%select_n3A_280, %dma_start3A_288, %dma_start3A_289] : memref<4x802816x16xf32, #tpu.memory_space<hbm>> -> memref<1x802816x16xf32, #tpu.memory_space<hbm>>
      %dma_start3A_291 = tpu.memref_squeeze %dma_start3A_290 : memref<1x802816x16xf32, #tpu.memory_space<hbm>> -> memref<802816x16xf32, #tpu.memory_space<hbm>>
      %dma_start3A_292 = arith.constant 0 : i32
      %dma_start3A_293 = arith.constant 0 : i32
      %dma_start3A_294 = tpu.memref_slice %dma_start3A_291[%dma_start3A_292, %dma_start3A_293] : memref<802816x16xf32, #tpu.memory_space<hbm>> -> memref<802816x16xf32, #tpu.memory_space<hbm>>
      tpu.enqueue_indirect_dma source(%dma_start3A_294 : memref<802816x16xf32, #tpu.memory_space<hbm>>) target(%dma_start3A_284 : memref<128x16xf32, #tpu.memory_space<vmem>>) offsets(%dma_start3A_287 : memref<128xi32, #tpu.memory_space<vmem>>) semaphore(%arg10 : memref<!tpu.dma_semaphore, #tpu.memory_space<semaphore_mem>>)
      %mul3A_295 = arith.constant 8 : i32
      %mul3A_296 = arith.muli %scan3A_45, %mul3A_295 : i32
      %add3A_297 = arith.constant 5 : i32
      %add3A_298 = arith.addi %mul3A_296, %add3A_297 : i32
      %jit3A_299 = arith.constant 8 : i32
      %div3A_300 = arith.divsi %select_n3A_80, %jit3A_299 : i32
      %sign3A_301 = arith.constant 0 : i32
      %sign3A_302 = arith.cmpi sgt, %select_n3A_80, %sign3A_301 : i32
      %sign3A_303 = arith.extui %sign3A_302 : i1 to i32
      %sign3A_304 = arith.constant 0 : i32
      %sign3A_305 = arith.cmpi slt, %select_n3A_80, %sign3A_304 : i32
      %sign3A_306 = arith.extui %sign3A_305 : i1 to i32
      %sign3A_307 = arith.subi %sign3A_303, %sign3A_306 : i32
      %sign3A_308 = arith.constant 0 : i32
      %sign3A_309 = arith.cmpi sgt, %jit3A_299, %sign3A_308 : i32
      %sign3A_310 = arith.extui %sign3A_309 : i1 to i32
      %sign3A_311 = arith.constant 0 : i32
      %sign3A_312 = arith.cmpi slt, %jit3A_299, %sign3A_311 : i32
      %sign3A_313 = arith.extui %sign3A_312 : i1 to i32
      %sign3A_314 = arith.subi %sign3A_310, %sign3A_313 : i32
      %ne3A_315 = arith.cmpi ne, %sign3A_307, %sign3A_314 : i32
      %rem3A_316 = arith.remsi %select_n3A_80, %jit3A_299 : i32
      %ne3A_317 = arith.constant 0 : i32
      %ne3A_318 = arith.cmpi ne, %rem3A_316, %ne3A_317 : i32
      %and3A_319 = arith.andi %ne3A_315, %ne3A_318 : i1
      %sub3A_320 = arith.constant 1 : i32
      %sub3A_321 = arith.subi %div3A_300, %sub3A_320 : i32
      %select_n3A_322 = arith.select %and3A_319, %sub3A_321, %div3A_300 : i32
      %add3A_323 = arith.constant 640 : i32
      %add3A_324 = arith.addi %mul3A_56, %add3A_323 : i32
      %dma_start3A_325 = arith.constant 0 : i32
      %dma_start3A_326 = tpu.memref_slice %arg9[%add3A_324, %dma_start3A_325] : memref<2048x16xf32, #tpu.memory_space<vmem>> -> memref<128x16xf32, #tpu.memory_space<vmem>>
      %dma_start3A_327 = arith.constant 0 : i32
      %dma_start3A_328 = tpu.memref_slice %arg8[%add3A_298, %dma_start3A_327] : memref<104x128xi32, #tpu.memory_space<vmem>> -> memref<1x128xi32, #tpu.memory_space<vmem>>
      %dma_start3A_329 = tpu.memref_squeeze %dma_start3A_328 : memref<1x128xi32, #tpu.memory_space<vmem>> -> memref<128xi32, #tpu.memory_space<vmem>>
      %dma_start3A_330 = arith.constant 0 : i32
      %dma_start3A_331 = arith.constant 0 : i32
      %dma_start3A_332 = tpu.memref_slice %arg3[%select_n3A_322, %dma_start3A_330, %dma_start3A_331] : memref<4x802816x16xf32, #tpu.memory_space<hbm>> -> memref<1x802816x16xf32, #tpu.memory_space<hbm>>
      %dma_start3A_333 = tpu.memref_squeeze %dma_start3A_332 : memref<1x802816x16xf32, #tpu.memory_space<hbm>> -> memref<802816x16xf32, #tpu.memory_space<hbm>>
      %dma_start3A_334 = arith.constant 0 : i32
      %dma_start3A_335 = arith.constant 0 : i32
      %dma_start3A_336 = tpu.memref_slice %dma_start3A_333[%dma_start3A_334, %dma_start3A_335] : memref<802816x16xf32, #tpu.memory_space<hbm>> -> memref<802816x16xf32, #tpu.memory_space<hbm>>
      tpu.enqueue_indirect_dma source(%dma_start3A_336 : memref<802816x16xf32, #tpu.memory_space<hbm>>) target(%dma_start3A_326 : memref<128x16xf32, #tpu.memory_space<vmem>>) offsets(%dma_start3A_329 : memref<128xi32, #tpu.memory_space<vmem>>) semaphore(%arg10 : memref<!tpu.dma_semaphore, #tpu.memory_space<semaphore_mem>>)
      %mul3A_337 = arith.constant 8 : i32
      %mul3A_338 = arith.muli %scan3A_45, %mul3A_337 : i32
      %add3A_339 = arith.constant 6 : i32
      %add3A_340 = arith.addi %mul3A_338, %add3A_339 : i32
      %jit3A_341 = arith.constant 8 : i32
      %div3A_342 = arith.divsi %select_n3A_80, %jit3A_341 : i32
      %sign3A_343 = arith.constant 0 : i32
      %sign3A_344 = arith.cmpi sgt, %select_n3A_80, %sign3A_343 : i32
      %sign3A_345 = arith.extui %sign3A_344 : i1 to i32
      %sign3A_346 = arith.constant 0 : i32
      %sign3A_347 = arith.cmpi slt, %select_n3A_80, %sign3A_346 : i32
      %sign3A_348 = arith.extui %sign3A_347 : i1 to i32
      %sign3A_349 = arith.subi %sign3A_345, %sign3A_348 : i32
      %sign3A_350 = arith.constant 0 : i32
      %sign3A_351 = arith.cmpi sgt, %jit3A_341, %sign3A_350 : i32
      %sign3A_352 = arith.extui %sign3A_351 : i1 to i32
      %sign3A_353 = arith.constant 0 : i32
      %sign3A_354 = arith.cmpi slt, %jit3A_341, %sign3A_353 : i32
      %sign3A_355 = arith.extui %sign3A_354 : i1 to i32
      %sign3A_356 = arith.subi %sign3A_352, %sign3A_355 : i32
      %ne3A_357 = arith.cmpi ne, %sign3A_349, %sign3A_356 : i32
      %rem3A_358 = arith.remsi %select_n3A_80, %jit3A_341 : i32
      %ne3A_359 = arith.constant 0 : i32
      %ne3A_360 = arith.cmpi ne, %rem3A_358, %ne3A_359 : i32
      %and3A_361 = arith.andi %ne3A_357, %ne3A_360 : i1
      %sub3A_362 = arith.constant 1 : i32
      %sub3A_363 = arith.subi %div3A_342, %sub3A_362 : i32
      %select_n3A_364 = arith.select %and3A_361, %sub3A_363, %div3A_342 : i32
      %add3A_365 = arith.constant 768 : i32
      %add3A_366 = arith.addi %mul3A_56, %add3A_365 : i32
      %dma_start3A_367 = arith.constant 0 : i32
      %dma_start3A_368 = tpu.memref_slice %arg9[%add3A_366, %dma_start3A_367] : memref<2048x16xf32, #tpu.memory_space<vmem>> -> memref<128x16xf32, #tpu.memory_space<vmem>>
      %dma_start3A_369 = arith.constant 0 : i32
      %dma_start3A_370 = tpu.memref_slice %arg8[%add3A_340, %dma_start3A_369] : memref<104x128xi32, #tpu.memory_space<vmem>> -> memref<1x128xi32, #tpu.memory_space<vmem>>
      %dma_start3A_371 = tpu.memref_squeeze %dma_start3A_370 : memref<1x128xi32, #tpu.memory_space<vmem>> -> memref<128xi32, #tpu.memory_space<vmem>>
      %dma_start3A_372 = arith.constant 0 : i32
      %dma_start3A_373 = arith.constant 0 : i32
      %dma_start3A_374 = tpu.memref_slice %arg3[%select_n3A_364, %dma_start3A_372, %dma_start3A_373] : memref<4x802816x16xf32, #tpu.memory_space<hbm>> -> memref<1x802816x16xf32, #tpu.memory_space<hbm>>
      %dma_start3A_375 = tpu.memref_squeeze %dma_start3A_374 : memref<1x802816x16xf32, #tpu.memory_space<hbm>> -> memref<802816x16xf32, #tpu.memory_space<hbm>>
      %dma_start3A_376 = arith.constant 0 : i32
      %dma_start3A_377 = arith.constant 0 : i32
      %dma_start3A_378 = tpu.memref_slice %dma_start3A_375[%dma_start3A_376, %dma_start3A_377] : memref<802816x16xf32, #tpu.memory_space<hbm>> -> memref<802816x16xf32, #tpu.memory_space<hbm>>
      tpu.enqueue_indirect_dma source(%dma_start3A_378 : memref<802816x16xf32, #tpu.memory_space<hbm>>) target(%dma_start3A_368 : memref<128x16xf32, #tpu.memory_space<vmem>>) offsets(%dma_start3A_371 : memref<128xi32, #tpu.memory_space<vmem>>) semaphore(%arg10 : memref<!tpu.dma_semaphore, #tpu.memory_space<semaphore_mem>>)
      %mul3A_379 = arith.constant 8 : i32
      %mul3A_380 = arith.muli %scan3A_45, %mul3A_379 : i32
      %add3A_381 = arith.constant 7 : i32
      %add3A_382 = arith.addi %mul3A_380, %add3A_381 : i32
      %jit3A_383 = arith.constant 8 : i32
      %div3A_384 = arith.divsi %select_n3A_80, %jit3A_383 : i32
      %sign3A_385 = arith.constant 0 : i32
      %sign3A_386 = arith.cmpi sgt, %select_n3A_80, %sign3A_385 : i32
      %sign3A_387 = arith.extui %sign3A_386 : i1 to i32
      %sign3A_388 = arith.constant 0 : i32
      %sign3A_389 = arith.cmpi slt, %select_n3A_80, %sign3A_388 : i32
      %sign3A_390 = arith.extui %sign3A_389 : i1 to i32
      %sign3A_391 = arith.subi %sign3A_387, %sign3A_390 : i32
      %sign3A_392 = arith.constant 0 : i32
      %sign3A_393 = arith.cmpi sgt, %jit3A_383, %sign3A_392 : i32
      %sign3A_394 = arith.extui %sign3A_393 : i1 to i32
      %sign3A_395 = arith.constant 0 : i32
      %sign3A_396 = arith.cmpi slt, %jit3A_383, %sign3A_395 : i32
      %sign3A_397 = arith.extui %sign3A_396 : i1 to i32
      %sign3A_398 = arith.subi %sign3A_394, %sign3A_397 : i32
      %ne3A_399 = arith.cmpi ne, %sign3A_391, %sign3A_398 : i32
      %rem3A_400 = arith.remsi %select_n3A_80, %jit3A_383 : i32
      %ne3A_401 = arith.constant 0 : i32
      %ne3A_402 = arith.cmpi ne, %rem3A_400, %ne3A_401 : i32
      %and3A_403 = arith.andi %ne3A_399, %ne3A_402 : i1
      %sub3A_404 = arith.constant 1 : i32
      %sub3A_405 = arith.subi %div3A_384, %sub3A_404 : i32
      %select_n3A_406 = arith.select %and3A_403, %sub3A_405, %div3A_384 : i32
      %add3A_407 = arith.constant 896 : i32
      %add3A_408 = arith.addi %mul3A_56, %add3A_407 : i32
      %dma_start3A_409 = arith.constant 0 : i32
      %dma_start3A_410 = tpu.memref_slice %arg9[%add3A_408, %dma_start3A_409] : memref<2048x16xf32, #tpu.memory_space<vmem>> -> memref<128x16xf32, #tpu.memory_space<vmem>>
      %dma_start3A_411 = arith.constant 0 : i32
      %dma_start3A_412 = tpu.memref_slice %arg8[%add3A_382, %dma_start3A_411] : memref<104x128xi32, #tpu.memory_space<vmem>> -> memref<1x128xi32, #tpu.memory_space<vmem>>
      %dma_start3A_413 = tpu.memref_squeeze %dma_start3A_412 : memref<1x128xi32, #tpu.memory_space<vmem>> -> memref<128xi32, #tpu.memory_space<vmem>>
      %dma_start3A_414 = arith.constant 0 : i32
      %dma_start3A_415 = arith.constant 0 : i32
      %dma_start3A_416 = tpu.memref_slice %arg3[%select_n3A_406, %dma_start3A_414, %dma_start3A_415] : memref<4x802816x16xf32, #tpu.memory_space<hbm>> -> memref<1x802816x16xf32, #tpu.memory_space<hbm>>
      %dma_start3A_417 = tpu.memref_squeeze %dma_start3A_416 : memref<1x802816x16xf32, #tpu.memory_space<hbm>> -> memref<802816x16xf32, #tpu.memory_space<hbm>>
      %dma_start3A_418 = arith.constant 0 : i32
      %dma_start3A_419 = arith.constant 0 : i32
      %dma_start3A_420 = tpu.memref_slice %dma_start3A_417[%dma_start3A_418, %dma_start3A_419] : memref<802816x16xf32, #tpu.memory_space<hbm>> -> memref<802816x16xf32, #tpu.memory_space<hbm>>
      tpu.enqueue_indirect_dma source(%dma_start3A_420 : memref<802816x16xf32, #tpu.memory_space<hbm>>) target(%dma_start3A_410 : memref<128x16xf32, #tpu.memory_space<vmem>>) offsets(%dma_start3A_413 : memref<128xi32, #tpu.memory_space<vmem>>) semaphore(%arg10 : memref<!tpu.dma_semaphore, #tpu.memory_space<semaphore_mem>>)
      %dma_wait3A_421 = arith.constant 0 : i32
      %dma_wait3A_422 = arith.constant 0 : i32
      %dma_wait3A_423 = arith.constant 0 : i32
      %dma_wait3A_424 = tpu.memref_slice %arg9[%dma_wait3A_422, %dma_wait3A_423] : memref<2048x16xf32, #tpu.memory_space<vmem>> -> memref<1024x16xf32, #tpu.memory_space<vmem>>
      %dma_wait3A_425 = arith.constant 0 : i32
      %dma_wait3A_426 = arith.constant 0 : i32
      %dma_wait3A_427 = tpu.memref_slice %arg3[%dma_wait3A_421, %dma_wait3A_425, %dma_wait3A_426] : memref<4x802816x16xf32, #tpu.memory_space<hbm>> -> memref<1x1024x16xf32, #tpu.memory_space<hbm>>
      %dma_wait3A_428 = tpu.memref_squeeze %dma_wait3A_427 : memref<1x1024x16xf32, #tpu.memory_space<hbm>> -> memref<1024x16xf32, #tpu.memory_space<hbm>>
      %dma_wait3A_429 = arith.constant 0 : i32
      %dma_wait3A_430 = arith.constant 0 : i32
      %dma_wait3A_431 = tpu.memref_slice %arg9[%dma_wait3A_429, %dma_wait3A_430] : memref<2048x16xf32, #tpu.memory_space<vmem>> -> memref<1024x16xf32, #tpu.memory_space<vmem>>
      %dma_wait3A_432 = arith.constant 0 : i32
      %dma_wait3A_433 = arith.constant 0 : i32
      %dma_wait3A_434 = tpu.memref_slice %arg3[%dma_wait3A_421, %dma_wait3A_432, %dma_wait3A_433] : memref<4x802816x16xf32, #tpu.memory_space<hbm>> -> memref<1x1024x16xf32, #tpu.memory_space<hbm>>
      %dma_wait3A_435 = tpu.memref_squeeze %dma_wait3A_434 : memref<1x1024x16xf32, #tpu.memory_space<hbm>> -> memref<1024x16xf32, #tpu.memory_space<hbm>>
      tpu.wait_dma2 semaphore(%arg10 : memref<!tpu.dma_semaphore, #tpu.memory_space<semaphore_mem>>) src(%dma_wait3A_435 : memref<1024x16xf32, #tpu.memory_space<hbm>>) dst(%dma_wait3A_431 : memref<1024x16xf32, #tpu.memory_space<vmem>>)
      %jit3A_436 = arith.constant 8 : i32
      %eq3A_437 = arith.constant 0 : i32
      %eq3A_438 = arith.cmpi eq, %jit3A_436, %eq3A_437 : i32
      %jit3A_439 = arith.constant 1 : i32
      %select_n3A_440 = arith.select %eq3A_438, %jit3A_439, %jit3A_436 : i32
      %rem3A_441 = arith.remsi %select_n3A_80, %select_n3A_440 : i32
      %ne3A_442 = arith.constant 0 : i32
      %ne3A_443 = arith.cmpi ne, %rem3A_441, %ne3A_442 : i32
      %lt3A_444 = arith.constant 0 : i32
      %lt3A_445 = arith.cmpi slt, %rem3A_441, %lt3A_444 : i32
      %lt3A_446 = arith.constant 0 : i32
      %lt3A_447 = arith.cmpi slt, %select_n3A_440, %lt3A_446 : i32
      %ne3A_448 = arith.xori %lt3A_445, %lt3A_447 : i1
      %and3A_449 = arith.andi %ne3A_448, %ne3A_443 : i1
      %add3A_450 = arith.addi %rem3A_441, %select_n3A_440 : i32
      %select_n3A_451 = arith.select %and3A_449, %add3A_450, %rem3A_441 : i32
      %mul3A_452 = arith.constant 16 : i32
      %mul3A_453 = arith.muli %select_n3A_451, %mul3A_452 : i32
      %jit3A_454 = arith.constant 8 : i32
      %div3A_455 = arith.divsi %select_n3A_80, %jit3A_454 : i32
      %sign3A_456 = arith.constant 0 : i32
      %sign3A_457 = arith.cmpi sgt, %select_n3A_80, %sign3A_456 : i32
      %sign3A_458 = arith.extui %sign3A_457 : i1 to i32
      %sign3A_459 = arith.constant 0 : i32
      %sign3A_460 = arith.cmpi slt, %select_n3A_80, %sign3A_459 : i32
      %sign3A_461 = arith.extui %sign3A_460 : i1 to i32
      %sign3A_462 = arith.subi %sign3A_458, %sign3A_461 : i32
      %sign3A_463 = arith.constant 0 : i32
      %sign3A_464 = arith.cmpi sgt, %jit3A_454, %sign3A_463 : i32
      %sign3A_465 = arith.extui %sign3A_464 : i1 to i32
      %sign3A_466 = arith.constant 0 : i32
      %sign3A_467 = arith.cmpi slt, %jit3A_454, %sign3A_466 : i32
      %sign3A_468 = arith.extui %sign3A_467 : i1 to i32
      %sign3A_469 = arith.subi %sign3A_465, %sign3A_468 : i32
      %ne3A_470 = arith.cmpi ne, %sign3A_462, %sign3A_469 : i32
      %rem3A_471 = arith.remsi %select_n3A_80, %jit3A_454 : i32
      %ne3A_472 = arith.constant 0 : i32
      %ne3A_473 = arith.cmpi ne, %rem3A_471, %ne3A_472 : i32
      %and3A_474 = arith.andi %ne3A_470, %ne3A_473 : i1
      %sub3A_475 = arith.constant 1 : i32
      %sub3A_476 = arith.subi %div3A_455, %sub3A_475 : i32
      %select_n3A_477 = arith.select %and3A_474, %sub3A_476, %div3A_455 : i32
      %eq3A_478 = arith.constant 0 : i32
      %eq3A_479 = arith.cmpi eq, %select_n3A_477, %eq3A_478 : i32
      %convert_element_type3A_480 = arith.extui %eq3A_479 : i1 to i32
      %cond3A_481 = arith.constant 0 : i32
      %cond3A_482 = arith.cmpi ne, %convert_element_type3A_480, %cond3A_481 : i32
      scf.if %cond3A_482 {
        %dma_start3A_570 = arith.constant 0 : i32
        %dma_start3A_571 = tpu.memref_slice %arg9[%mul3A_56, %dma_start3A_570] : memref<2048x16xf32, #tpu.memory_space<vmem>> -> memref<1024x16xf32, #tpu.memory_space<vmem>>
        %dma_start3A_572 = tpu.memref_slice %arg4[%sub3A_83, %mul3A_453] : memref<16384x128xf32, #tpu.memory_space<hbm>> -> memref<1024x16xf32, #tpu.memory_space<hbm>>
        %dma_start3A_573 = tpu.memref_slice %arg4[%sub3A_83, %mul3A_453] : memref<16384x128xf32, #tpu.memory_space<hbm>> -> memref<1024x16xf32, #tpu.memory_space<hbm>>
        %dma_start3A_574 = arith.constant 0 : i32
        %dma_start3A_575 = tpu.memref_slice %arg9[%mul3A_56, %dma_start3A_574] : memref<2048x16xf32, #tpu.memory_space<vmem>> -> memref<1024x16xf32, #tpu.memory_space<vmem>>
        tpu.enqueue_dma source(%dma_start3A_575 : memref<1024x16xf32, #tpu.memory_space<vmem>>) target(%dma_start3A_573 : memref<1024x16xf32, #tpu.memory_space<hbm>>) target_semaphore(%arg11 : memref<!tpu.dma_semaphore, #tpu.memory_space<semaphore_mem>>)
      } else {
      }
      %jit3A_483 = arith.constant 8 : i32
      %div3A_484 = arith.divsi %select_n3A_80, %jit3A_483 : i32
      %sign3A_485 = arith.constant 0 : i32
      %sign3A_486 = arith.cmpi sgt, %select_n3A_80, %sign3A_485 : i32
      %sign3A_487 = arith.extui %sign3A_486 : i1 to i32
      %sign3A_488 = arith.constant 0 : i32
      %sign3A_489 = arith.cmpi slt, %select_n3A_80, %sign3A_488 : i32
      %sign3A_490 = arith.extui %sign3A_489 : i1 to i32
      %sign3A_491 = arith.subi %sign3A_487, %sign3A_490 : i32
      %sign3A_492 = arith.constant 0 : i32
      %sign3A_493 = arith.cmpi sgt, %jit3A_483, %sign3A_492 : i32
      %sign3A_494 = arith.extui %sign3A_493 : i1 to i32
      %sign3A_495 = arith.constant 0 : i32
      %sign3A_496 = arith.cmpi slt, %jit3A_483, %sign3A_495 : i32
      %sign3A_497 = arith.extui %sign3A_496 : i1 to i32
      %sign3A_498 = arith.subi %sign3A_494, %sign3A_497 : i32
      %ne3A_499 = arith.cmpi ne, %sign3A_491, %sign3A_498 : i32
      %rem3A_500 = arith.remsi %select_n3A_80, %jit3A_483 : i32
      %ne3A_501 = arith.constant 0 : i32
      %ne3A_502 = arith.cmpi ne, %rem3A_500, %ne3A_501 : i32
      %and3A_503 = arith.andi %ne3A_499, %ne3A_502 : i1
      %sub3A_504 = arith.constant 1 : i32
      %sub3A_505 = arith.subi %div3A_484, %sub3A_504 : i32
      %select_n3A_506 = arith.select %and3A_503, %sub3A_505, %div3A_484 : i32
      %eq3A_507 = arith.constant 1 : i32
      %eq3A_508 = arith.cmpi eq, %select_n3A_506, %eq3A_507 : i32
      %convert_element_type3A_509 = arith.extui %eq3A_508 : i1 to i32
      %cond3A_510 = arith.constant 0 : i32
      %cond3A_511 = arith.cmpi ne, %convert_element_type3A_509, %cond3A_510 : i32
      scf.if %cond3A_511 {
        %dma_start3A_570 = arith.constant 0 : i32
        %dma_start3A_571 = tpu.memref_slice %arg9[%mul3A_56, %dma_start3A_570] : memref<2048x16xf32, #tpu.memory_space<vmem>> -> memref<1024x16xf32, #tpu.memory_space<vmem>>
        %dma_start3A_572 = tpu.memref_slice %arg5[%sub3A_83, %mul3A_453] : memref<16384x128xf32, #tpu.memory_space<hbm>> -> memref<1024x16xf32, #tpu.memory_space<hbm>>
        %dma_start3A_573 = tpu.memref_slice %arg5[%sub3A_83, %mul3A_453] : memref<16384x128xf32, #tpu.memory_space<hbm>> -> memref<1024x16xf32, #tpu.memory_space<hbm>>
        %dma_start3A_574 = arith.constant 0 : i32
        %dma_start3A_575 = tpu.memref_slice %arg9[%mul3A_56, %dma_start3A_574] : memref<2048x16xf32, #tpu.memory_space<vmem>> -> memref<1024x16xf32, #tpu.memory_space<vmem>>
        tpu.enqueue_dma source(%dma_start3A_575 : memref<1024x16xf32, #tpu.memory_space<vmem>>) target(%dma_start3A_573 : memref<1024x16xf32, #tpu.memory_space<hbm>>) target_semaphore(%arg11 : memref<!tpu.dma_semaphore, #tpu.memory_space<semaphore_mem>>)
      } else {
      }
      %jit3A_512 = arith.constant 8 : i32
      %div3A_513 = arith.divsi %select_n3A_80, %jit3A_512 : i32
      %sign3A_514 = arith.constant 0 : i32
      %sign3A_515 = arith.cmpi sgt, %select_n3A_80, %sign3A_514 : i32
      %sign3A_516 = arith.extui %sign3A_515 : i1 to i32
      %sign3A_517 = arith.constant 0 : i32
      %sign3A_518 = arith.cmpi slt, %select_n3A_80, %sign3A_517 : i32
      %sign3A_519 = arith.extui %sign3A_518 : i1 to i32
      %sign3A_520 = arith.subi %sign3A_516, %sign3A_519 : i32
      %sign3A_521 = arith.constant 0 : i32
      %sign3A_522 = arith.cmpi sgt, %jit3A_512, %sign3A_521 : i32
      %sign3A_523 = arith.extui %sign3A_522 : i1 to i32
      %sign3A_524 = arith.constant 0 : i32
      %sign3A_525 = arith.cmpi slt, %jit3A_512, %sign3A_524 : i32
      %sign3A_526 = arith.extui %sign3A_525 : i1 to i32
      %sign3A_527 = arith.subi %sign3A_523, %sign3A_526 : i32
      %ne3A_528 = arith.cmpi ne, %sign3A_520, %sign3A_527 : i32
      %rem3A_529 = arith.remsi %select_n3A_80, %jit3A_512 : i32
      %ne3A_530 = arith.constant 0 : i32
      %ne3A_531 = arith.cmpi ne, %rem3A_529, %ne3A_530 : i32
      %and3A_532 = arith.andi %ne3A_528, %ne3A_531 : i1
      %sub3A_533 = arith.constant 1 : i32
      %sub3A_534 = arith.subi %div3A_513, %sub3A_533 : i32
      %select_n3A_535 = arith.select %and3A_532, %sub3A_534, %div3A_513 : i32
      %eq3A_536 = arith.constant 2 : i32
      %eq3A_537 = arith.cmpi eq, %select_n3A_535, %eq3A_536 : i32
      %convert_element_type3A_538 = arith.extui %eq3A_537 : i1 to i32
      %cond3A_539 = arith.constant 0 : i32
      %cond3A_540 = arith.cmpi ne, %convert_element_type3A_538, %cond3A_539 : i32
      scf.if %cond3A_540 {
        %dma_start3A_570 = arith.constant 0 : i32
        %dma_start3A_571 = tpu.memref_slice %arg9[%mul3A_56, %dma_start3A_570] : memref<2048x16xf32, #tpu.memory_space<vmem>> -> memref<1024x16xf32, #tpu.memory_space<vmem>>
        %dma_start3A_572 = tpu.memref_slice %arg6[%sub3A_83, %mul3A_453] : memref<16384x128xf32, #tpu.memory_space<hbm>> -> memref<1024x16xf32, #tpu.memory_space<hbm>>
        %dma_start3A_573 = tpu.memref_slice %arg6[%sub3A_83, %mul3A_453] : memref<16384x128xf32, #tpu.memory_space<hbm>> -> memref<1024x16xf32, #tpu.memory_space<hbm>>
        %dma_start3A_574 = arith.constant 0 : i32
        %dma_start3A_575 = tpu.memref_slice %arg9[%mul3A_56, %dma_start3A_574] : memref<2048x16xf32, #tpu.memory_space<vmem>> -> memref<1024x16xf32, #tpu.memory_space<vmem>>
        tpu.enqueue_dma source(%dma_start3A_575 : memref<1024x16xf32, #tpu.memory_space<vmem>>) target(%dma_start3A_573 : memref<1024x16xf32, #tpu.memory_space<hbm>>) target_semaphore(%arg11 : memref<!tpu.dma_semaphore, #tpu.memory_space<semaphore_mem>>)
      } else {
      }
      %jit3A_541 = arith.constant 8 : i32
      %div3A_542 = arith.divsi %select_n3A_80, %jit3A_541 : i32
      %sign3A_543 = arith.constant 0 : i32
      %sign3A_544 = arith.cmpi sgt, %select_n3A_80, %sign3A_543 : i32
      %sign3A_545 = arith.extui %sign3A_544 : i1 to i32
      %sign3A_546 = arith.constant 0 : i32
      %sign3A_547 = arith.cmpi slt, %select_n3A_80, %sign3A_546 : i32
      %sign3A_548 = arith.extui %sign3A_547 : i1 to i32
      %sign3A_549 = arith.subi %sign3A_545, %sign3A_548 : i32
      %sign3A_550 = arith.constant 0 : i32
      %sign3A_551 = arith.cmpi sgt, %jit3A_541, %sign3A_550 : i32
      %sign3A_552 = arith.extui %sign3A_551 : i1 to i32
      %sign3A_553 = arith.constant 0 : i32
      %sign3A_554 = arith.cmpi slt, %jit3A_541, %sign3A_553 : i32
      %sign3A_555 = arith.extui %sign3A_554 : i1 to i32
      %sign3A_556 = arith.subi %sign3A_552, %sign3A_555 : i32
      %ne3A_557 = arith.cmpi ne, %sign3A_549, %sign3A_556 : i32
      %rem3A_558 = arith.remsi %select_n3A_80, %jit3A_541 : i32
      %ne3A_559 = arith.constant 0 : i32
      %ne3A_560 = arith.cmpi ne, %rem3A_558, %ne3A_559 : i32
      %and3A_561 = arith.andi %ne3A_557, %ne3A_560 : i1
      %sub3A_562 = arith.constant 1 : i32
      %sub3A_563 = arith.subi %div3A_542, %sub3A_562 : i32
      %select_n3A_564 = arith.select %and3A_561, %sub3A_563, %div3A_542 : i32
      %eq3A_565 = arith.constant 3 : i32
      %eq3A_566 = arith.cmpi eq, %select_n3A_564, %eq3A_565 : i32
      %convert_element_type3A_567 = arith.extui %eq3A_566 : i1 to i32
      %cond3A_568 = arith.constant 0 : i32
      %cond3A_569 = arith.cmpi ne, %convert_element_type3A_567, %cond3A_568 : i32
      scf.if %cond3A_569 {
        %dma_start3A_570 = arith.constant 0 : i32
        %dma_start3A_571 = tpu.memref_slice %arg9[%mul3A_56, %dma_start3A_570] : memref<2048x16xf32, #tpu.memory_space<vmem>> -> memref<1024x16xf32, #tpu.memory_space<vmem>>
        %dma_start3A_572 = tpu.memref_slice %arg7[%sub3A_83, %mul3A_453] : memref<16384x128xf32, #tpu.memory_space<hbm>> -> memref<1024x16xf32, #tpu.memory_space<hbm>>
        %dma_start3A_573 = tpu.memref_slice %arg7[%sub3A_83, %mul3A_453] : memref<16384x128xf32, #tpu.memory_space<hbm>> -> memref<1024x16xf32, #tpu.memory_space<hbm>>
        %dma_start3A_574 = arith.constant 0 : i32
        %dma_start3A_575 = tpu.memref_slice %arg9[%mul3A_56, %dma_start3A_574] : memref<2048x16xf32, #tpu.memory_space<vmem>> -> memref<1024x16xf32, #tpu.memory_space<vmem>>
        tpu.enqueue_dma source(%dma_start3A_575 : memref<1024x16xf32, #tpu.memory_space<vmem>>) target(%dma_start3A_573 : memref<1024x16xf32, #tpu.memory_space<hbm>>) target_semaphore(%arg11 : memref<!tpu.dma_semaphore, #tpu.memory_space<semaphore_mem>>)
      } else {
      }
    }
    %scan3A_15 = arith.constant 13 : i32
    %dma_wait3A = arith.constant 0 : i32
    %dma_wait3A_16 = arith.constant 0 : i32
    %dma_wait3A_17 = arith.constant 0 : i32
    %dma_wait3A_18 = tpu.memref_slice %arg9[%dma_wait3A_16, %dma_wait3A_17] : memref<2048x16xf32, #tpu.memory_space<vmem>> -> memref<1024x16xf32, #tpu.memory_space<vmem>>
    %dma_wait3A_19 = arith.constant 0 : i32
    %dma_wait3A_20 = arith.constant 0 : i32
    %dma_wait3A_21 = tpu.memref_slice %arg3[%dma_wait3A, %dma_wait3A_19, %dma_wait3A_20] : memref<4x802816x16xf32, #tpu.memory_space<hbm>> -> memref<1x1024x16xf32, #tpu.memory_space<hbm>>
    %dma_wait3A_22 = tpu.memref_squeeze %dma_wait3A_21 : memref<1x1024x16xf32, #tpu.memory_space<hbm>> -> memref<1024x16xf32, #tpu.memory_space<hbm>>
    %dma_wait3A_23 = arith.constant 0 : i32
    %dma_wait3A_24 = arith.constant 0 : i32
    %dma_wait3A_25 = tpu.memref_slice %arg9[%dma_wait3A_23, %dma_wait3A_24] : memref<2048x16xf32, #tpu.memory_space<vmem>> -> memref<1024x16xf32, #tpu.memory_space<vmem>>
    %dma_wait3A_26 = arith.constant 0 : i32
    %dma_wait3A_27 = arith.constant 0 : i32
    %dma_wait3A_28 = tpu.memref_slice %arg3[%dma_wait3A, %dma_wait3A_26, %dma_wait3A_27] : memref<4x802816x16xf32, #tpu.memory_space<hbm>> -> memref<1x1024x16xf32, #tpu.memory_space<hbm>>
    %dma_wait3A_29 = tpu.memref_squeeze %dma_wait3A_28 : memref<1x1024x16xf32, #tpu.memory_space<hbm>> -> memref<1024x16xf32, #tpu.memory_space<hbm>>
    tpu.wait_dma2 semaphore(%arg11 : memref<!tpu.dma_semaphore, #tpu.memory_space<semaphore_mem>>) src(%dma_wait3A_29 : memref<1024x16xf32, #tpu.memory_space<hbm>>) dst(%dma_wait3A_25 : memref<1024x16xf32, #tpu.memory_space<vmem>>)
    %dma_wait3A_30 = arith.constant 0 : i32
    %dma_wait3A_31 = arith.constant 0 : i32
    %dma_wait3A_32 = arith.constant 0 : i32
    %dma_wait3A_33 = tpu.memref_slice %arg9[%dma_wait3A_31, %dma_wait3A_32] : memref<2048x16xf32, #tpu.memory_space<vmem>> -> memref<1024x16xf32, #tpu.memory_space<vmem>>
    %dma_wait3A_34 = arith.constant 0 : i32
    %dma_wait3A_35 = arith.constant 0 : i32
    %dma_wait3A_36 = tpu.memref_slice %arg3[%dma_wait3A_30, %dma_wait3A_34, %dma_wait3A_35] : memref<4x802816x16xf32, #tpu.memory_space<hbm>> -> memref<1x1024x16xf32, #tpu.memory_space<hbm>>
    %dma_wait3A_37 = tpu.memref_squeeze %dma_wait3A_36 : memref<1x1024x16xf32, #tpu.memory_space<hbm>> -> memref<1024x16xf32, #tpu.memory_space<hbm>>
    %dma_wait3A_38 = arith.constant 0 : i32
    %dma_wait3A_39 = arith.constant 0 : i32
    %dma_wait3A_40 = tpu.memref_slice %arg9[%dma_wait3A_38, %dma_wait3A_39] : memref<2048x16xf32, #tpu.memory_space<vmem>> -> memref<1024x16xf32, #tpu.memory_space<vmem>>
    %dma_wait3A_41 = arith.constant 0 : i32
    %dma_wait3A_42 = arith.constant 0 : i32
    %dma_wait3A_43 = tpu.memref_slice %arg3[%dma_wait3A_30, %dma_wait3A_41, %dma_wait3A_42] : memref<4x802816x16xf32, #tpu.memory_space<hbm>> -> memref<1x1024x16xf32, #tpu.memory_space<hbm>>
    %dma_wait3A_44 = tpu.memref_squeeze %dma_wait3A_43 : memref<1x1024x16xf32, #tpu.memory_space<hbm>> -> memref<1024x16xf32, #tpu.memory_space<hbm>>
    tpu.wait_dma2 semaphore(%arg11 : memref<!tpu.dma_semaphore, #tpu.memory_space<semaphore_mem>>) src(%dma_wait3A_44 : memref<1024x16xf32, #tpu.memory_space<hbm>>) dst(%dma_wait3A_40 : memref<1024x16xf32, #tpu.memory_space<vmem>>)
    return
  }
}

module attributes {stable_mosaic.version = 14 : i64} {
  func.func @_detile_body(%arg0: i32, %arg1: i32, %arg2: memref<8x16x12544xf32, #tpu.memory_space<vmem>>, %arg3: memref<12544x128xf32, #tpu.memory_space<vmem>>) attributes {dimension_semantics = [#tpu.dimension_semantics<arbitrary>, #tpu.dimension_semantics<arbitrary>], iteration_bounds = array<i64: 4, 8>, scalar_prefetch = 0 : i64, scratch_operands = 0 : i64, tpu.core_type = #tpu.core_type<tc>, window_params = [{transform_indices = @transform_0, window_bounds = array<i64: 8, 16, 12544>}, {transform_indices = @transform_1, window_bounds = array<i64: 12544, 128>}]} {
    %get3A = arith.constant 0 : index
    %get3A_0 = arith.constant 0 : index
    %get3A_1 = arith.constant 0 : index
    %get3A_2 = vector.load %arg2[%get3A, %get3A_0, %get3A_1] : memref<8x16x12544xf32, #tpu.memory_space<vmem>>, vector<8x16x12544xf32>
    %reshape3A = vector.shape_cast %get3A_2 : vector<8x16x12544xf32> to vector<128x12544xf32>
    %transpose3A = tpu.transpose %reshape3A, [1, 0] : vector<128x12544xf32> -> vector<12544x128xf32>
    %swap3A = arith.constant 0 : index
    %swap3A_3 = arith.constant 0 : index
    %swap3A_4 = vector.load %arg3[%swap3A, %swap3A_3] : memref<12544x128xf32, #tpu.memory_space<vmem>>, vector<12544x128xf32>
    tpu.vector_store %arg3[%swap3A, %swap3A_3], %transpose3A {strides = array<i32>} : memref<12544x128xf32, #tpu.memory_space<vmem>>, vector<12544x128xf32>,
    return
  }
  func.func @transform_0(%arg0: i32, %arg1: i32) -> (i32, i32, i32) {
    %c0_i32 = arith.constant 0 : i32
    %c0_i32_0 = arith.constant 0 : i32
    return %arg0, %c0_i32, %arg1 : i32, i32, i32
  }
  func.func @transform_1(%arg0: i32, %arg1: i32) -> (i32, i32) {
    %mul3A = arith.constant 8 : i32
    %mul3A_0 = arith.muli %arg0, %mul3A : i32
    %add3A = arith.addi %mul3A_0, %arg1 : i32
    %c0_i32 = arith.constant 0 : i32
    %c0_i32_1 = arith.constant 0 : i32
    return %add3A, %c0_i32 : i32, i32
  }
}

module attributes {stable_mosaic.version = 14 : i64} {
  func.func @_mlp_body(%arg0: i32, %arg1: i32, %arg2: memref<2048x128xf32, #tpu.memory_space<vmem>>, %arg3: memref<2048x128xf32, #tpu.memory_space<vmem>>, %arg4: memref<2048x128xf32, #tpu.memory_space<vmem>>, %arg5: memref<2048x128xf32, #tpu.memory_space<vmem>>, %arg6: memref<416x256xf32, #tpu.memory_space<vmem>>, %arg7: memref<1x256xf32, #tpu.memory_space<vmem>>, %arg8: memref<1x256xf32, #tpu.memory_space<vmem>>, %arg9: memref<1x256xf32, #tpu.memory_space<vmem>>, %arg10: memref<1x256xf32, #tpu.memory_space<vmem>>, %arg11: memref<1x256xf32, #tpu.memory_space<vmem>>, %arg12: memref<256x128xf32, #tpu.memory_space<vmem>>, %arg13: memref<1x128xf32, #tpu.memory_space<vmem>>, %arg14: memref<1x128xf32, #tpu.memory_space<vmem>>, %arg15: memref<1x128xf32, #tpu.memory_space<vmem>>, %arg16: memref<1x128xf32, #tpu.memory_space<vmem>>, %arg17: memref<1x128xf32, #tpu.memory_space<vmem>>, %arg18: memref<128x1xf32, #tpu.memory_space<vmem>>, %arg19: memref<1x1xf32, #tpu.memory_space<vmem>>, %arg20: memref<2048x1xf32, #tpu.memory_space<vmem>>, %arg21: memref<16384x256xf32, #tpu.memory_space<vmem>>, %arg22: memref<16384x128xf32, #tpu.memory_space<vmem>>, %arg23: memref<2x256xf32, #tpu.memory_space<vmem>>, %arg24: memref<2x128xf32, #tpu.memory_space<vmem>>, %arg25: memref<2x256xf32, #tpu.memory_space<vmem>>, %arg26: memref<2x128xf32, #tpu.memory_space<vmem>>) attributes {dimension_semantics = [#tpu.dimension_semantics<arbitrary>, #tpu.dimension_semantics<arbitrary>], iteration_bounds = array<i64: 3, 8>, scalar_prefetch = 0 : i64, scratch_operands = 6 : i64, tpu.core_type = #tpu.core_type<tc>, window_params = [{transform_indices = @transform_0, window_bounds = array<i64: 2048, 128>}, {transform_indices = @transform_1, window_bounds = array<i64: 2048, 128>}, {transform_indices = @transform_2, window_bounds = array<i64: 2048, 128>}, {transform_indices = @transform_3, window_bounds = array<i64: 2048, 128>}, {pipeline_mode = #tpu.pipeline_mode<synchronous>, transform_indices = @transform_4, window_bounds = array<i64: 416, 256>}, {pipeline_mode = #tpu.pipeline_mode<synchronous>, transform_indices = @transform_5, window_bounds = array<i64: 1, 256>}, {pipeline_mode = #tpu.pipeline_mode<synchronous>, transform_indices = @transform_6, window_bounds = array<i64: 1, 256>}, {pipeline_mode = #tpu.pipeline_mode<synchronous>, transform_indices = @transform_7, window_bounds = array<i64: 1, 256>}, {pipeline_mode = #tpu.pipeline_mode<synchronous>, transform_indices = @transform_8, window_bounds = array<i64: 1, 256>}, {pipeline_mode = #tpu.pipeline_mode<synchronous>, transform_indices = @transform_9, window_bounds = array<i64: 1, 256>}, {pipeline_mode = #tpu.pipeline_mode<synchronous>, transform_indices = @transform_10, window_bounds = array<i64: 256, 128>}, {pipeline_mode = #tpu.pipeline_mode<synchronous>, transform_indices = @transform_11, window_bounds = array<i64: 1, 128>}, {pipeline_mode = #tpu.pipeline_mode<synchronous>, transform_indices = @transform_12, window_bounds = array<i64: 1, 128>}, {pipeline_mode = #tpu.pipeline_mode<synchronous>, transform_indices = @transform_13, window_bounds = array<i64: 1, 128>}, {pipeline_mode = #tpu.pipeline_mode<synchronous>, transform_indices = @transform_14, window_bounds = array<i64: 1, 128>}, {pipeline_mode = #tpu.pipeline_mode<synchronous>, transform_indices = @transform_15, window_bounds = array<i64: 1, 128>}, {pipeline_mode = #tpu.pipeline_mode<synchronous>, transform_indices = @transform_16, window_bounds = array<i64: 128, 1>}, {pipeline_mode = #tpu.pipeline_mode<synchronous>, transform_indices = @transform_17, window_bounds = array<i64: 1, 1>}, {transform_indices = @transform_18, window_bounds = array<i64: 2048, 1>}]} {
    %eq3A = arith.constant 0 : i32
    %eq3A_0 = arith.cmpi eq, %arg0, %eq3A : i32
    %convert_element_type3A = arith.extui %eq3A_0 : i1 to i32
    %cond3A = arith.constant 0 : i32
    %cond3A_1 = arith.cmpi ne, %convert_element_type3A, %cond3A : i32
    scf.if %cond3A_1 {
      %eq3A_12 = arith.constant 0 : i32
      %eq3A_13 = arith.cmpi eq, %arg1, %eq3A_12 : i32
      %convert_element_type3A_14 = arith.extui %eq3A_13 : i1 to i32
      %cond3A_15 = arith.constant 0 : i32
      %cond3A_16 = arith.cmpi ne, %convert_element_type3A_14, %cond3A_15 : i32
      scf.if %cond3A_16 {
        %broadcast_in_dim3A_81 = arith.constant 0.000000e+00 : f32
        %broadcast_in_dim3A_82 = vector.broadcast %broadcast_in_dim3A_81 : f32 to vector<2x256xf32>
        %swap3A_83 = arith.constant 0 : index
        %swap3A_84 = arith.constant 0 : index
        %swap3A_85 = vector.load %arg23[%swap3A_83, %swap3A_84] : memref<2x256xf32, #tpu.memory_space<vmem>>, vector<2x256xf32>
        tpu.vector_store %arg23[%swap3A_83, %swap3A_84], %broadcast_in_dim3A_82 {strides = array<i32>} : memref<2x256xf32, #tpu.memory_space<vmem>>, vector<2x256xf32>,
      } else {
      }
      %get3A = arith.constant 0 : index
      %get3A_17 = arith.constant 0 : index
      %get3A_18 = vector.load %arg2[%get3A, %get3A_17] : memref<2048x128xf32, #tpu.memory_space<vmem>>, vector<2048x128xf32>
      %get3A_19 = arith.constant 0 : index
      %get3A_20 = arith.constant 0 : index
      %get3A_21 = vector.load %arg6[%get3A_19, %get3A_20] : memref<416x256xf32, #tpu.memory_space<vmem>>, vector<128x256xf32>
      %dot_general3A = arith.constant dense<0.000000e+00> : vector<2048x256xf32>
      %dot_general3A_22 = tpu.matmul %get3A_18, %get3A_21, %dot_general3A {dimension_numbers = #tpu.dot_dimension_numbers<[1], [0], [0], [1], [0, 0, 1, 1], [], []>, transpose_lhs_hint = false} : vector<2048x128xf32>, vector<128x256xf32>, vector<2048x256xf32> -> vector<2048x256xf32>
      %get3A_23 = arith.constant 0 : index
      %get3A_24 = arith.constant 0 : index
      %get3A_25 = vector.load %arg3[%get3A_23, %get3A_24] : memref<2048x128xf32, #tpu.memory_space<vmem>>, vector<2048x128xf32>
      %get3A_26 = arith.constant 128 : index
      %get3A_27 = arith.constant 0 : index
      %get3A_28 = vector.load %arg6[%get3A_26, %get3A_27] : memref<416x256xf32, #tpu.memory_space<vmem>>, vector<128x256xf32>
      %dot_general3A_29 = arith.constant dense<0.000000e+00> : vector<2048x256xf32>
      %dot_general3A_30 = tpu.matmul %get3A_25, %get3A_28, %dot_general3A_29 {dimension_numbers = #tpu.dot_dimension_numbers<[1], [0], [0], [1], [0, 0, 1, 1], [], []>, transpose_lhs_hint = false} : vector<2048x128xf32>, vector<128x256xf32>, vector<2048x256xf32> -> vector<2048x256xf32>
      %add3A = arith.addf %dot_general3A_22, %dot_general3A_30 : vector<2048x256xf32>
      %get3A_31 = arith.constant 0 : index
      %get3A_32 = arith.constant 0 : index
      %get3A_33 = vector.load %arg4[%get3A_31, %get3A_32] : memref<2048x128xf32, #tpu.memory_space<vmem>>, vector<2048x128xf32>
      %get3A_34 = arith.constant 256 : index
      %get3A_35 = arith.constant 0 : index
      %get3A_36 = vector.load %arg6[%get3A_34, %get3A_35] : memref<416x256xf32, #tpu.memory_space<vmem>>, vector<128x256xf32>
      %dot_general3A_37 = arith.constant dense<0.000000e+00> : vector<2048x256xf32>
      %dot_general3A_38 = tpu.matmul %get3A_33, %get3A_36, %dot_general3A_37 {dimension_numbers = #tpu.dot_dimension_numbers<[1], [0], [0], [1], [0, 0, 1, 1], [], []>, transpose_lhs_hint = false} : vector<2048x128xf32>, vector<128x256xf32>, vector<2048x256xf32> -> vector<2048x256xf32>
      %add3A_39 = arith.addf %add3A, %dot_general3A_38 : vector<2048x256xf32>
      %get3A_40 = arith.constant 0 : index
      %get3A_41 = arith.constant 0 : index
      %get3A_42 = vector.load %arg5[%get3A_40, %get3A_41] : memref<2048x128xf32, #tpu.memory_space<vmem>>, vector<2048x32xf32>
      %get3A_43 = arith.constant 384 : index
      %get3A_44 = arith.constant 0 : index
      %get3A_45 = vector.load %arg6[%get3A_43, %get3A_44] : memref<416x256xf32, #tpu.memory_space<vmem>>, vector<32x256xf32>
      %dot_general3A_46 = arith.constant dense<0.000000e+00> : vector<2048x256xf32>
      %dot_general3A_47 = tpu.matmul %get3A_42, %get3A_45, %dot_general3A_46 {dimension_numbers = #tpu.dot_dimension_numbers<[1], [0], [0], [1], [0, 0, 1, 1], [], []>, transpose_lhs_hint = false} : vector<2048x32xf32>, vector<32x256xf32>, vector<2048x256xf32> -> vector<2048x256xf32>
      %add3A_48 = arith.addf %add3A_39, %dot_general3A_47 : vector<2048x256xf32>
      %get3A_49 = arith.constant 0 : index
      %get3A_50 = arith.constant 0 : index
      %get3A_51 = vector.load %arg7[%get3A_49, %get3A_50] : memref<1x256xf32, #tpu.memory_space<vmem>>, vector<1x256xf32>
      %add3A_52 = vector.broadcast %get3A_51 : vector<1x256xf32> to vector<2048x256xf32>
      %add3A_53 = arith.addf %add3A_48, %add3A_52 : vector<2048x256xf32>
      %mul3A = arith.constant 2048 : i32
      %mul3A_54 = arith.muli %arg1, %mul3A : i32
      %swap3A = arith.index_cast %mul3A_54 : i32 to index
      %swap3A_55 = arith.constant 0 : index
      %swap3A_56 = vector.load %arg21[%swap3A, %swap3A_55] : memref<16384x256xf32, #tpu.memory_space<vmem>>, vector<2048x256xf32>
      tpu.vector_store %arg21[%swap3A, %swap3A_55], %add3A_53 {strides = array<i32>} : memref<16384x256xf32, #tpu.memory_space<vmem>>, vector<2048x256xf32>,
      %get3A_57 = arith.constant 0 : index
      %get3A_58 = arith.constant 0 : index
      %get3A_59 = vector.load %arg23[%get3A_57, %get3A_58] : memref<2x256xf32, #tpu.memory_space<vmem>>, vector<1x256xf32>
      %reduce_sum3A = arith.constant dense<0.000000e+00> : vector<256xf32>
      %reduce_sum3A_60 = vector.multi_reduction <add>, %add3A_53, %reduce_sum3A [0] : vector<2048x256xf32> to vector<256xf32>
      %broadcast_in_dim3A = vector.shape_cast %reduce_sum3A_60 : vector<256xf32> to vector<1x256xf32>
      %add3A_61 = arith.addf %get3A_59, %broadcast_in_dim3A : vector<1x256xf32>
      %swap3A_62 = arith.constant 0 : index
      %swap3A_63 = arith.constant 0 : index
      %swap3A_64 = vector.load %arg23[%swap3A_62, %swap3A_63] : memref<2x256xf32, #tpu.memory_space<vmem>>, vector<1x256xf32>
      tpu.vector_store %arg23[%swap3A_62, %swap3A_63], %add3A_61 {strides = array<i32>} : memref<2x256xf32, #tpu.memory_space<vmem>>, vector<1x256xf32>,
      %get3A_65 = arith.constant 1 : index
      %get3A_66 = arith.constant 0 : index
      %get3A_67 = vector.load %arg23[%get3A_65, %get3A_66] : memref<2x256xf32, #tpu.memory_space<vmem>>, vector<1x256xf32>
      %mul3A_68 = arith.mulf %add3A_53, %add3A_53 : vector<2048x256xf32>
      %reduce_sum3A_69 = arith.constant dense<0.000000e+00> : vector<256xf32>
      %reduce_sum3A_70 = vector.multi_reduction <add>, %mul3A_68, %reduce_sum3A_69 [0] : vector<2048x256xf32> to vector<256xf32>
      %broadcast_in_dim3A_71 = vector.shape_cast %reduce_sum3A_70 : vector<256xf32> to vector<1x256xf32>
      %add3A_72 = arith.addf %get3A_67, %broadcast_in_dim3A_71 : vector<1x256xf32>
      %swap3A_73 = arith.constant 1 : index
      %swap3A_74 = arith.constant 0 : index
      %swap3A_75 = vector.load %arg23[%swap3A_73, %swap3A_74] : memref<2x256xf32, #tpu.memory_space<vmem>>, vector<1x256xf32>
      tpu.vector_store %arg23[%swap3A_73, %swap3A_74], %add3A_72 {strides = array<i32>} : memref<2x256xf32, #tpu.memory_space<vmem>>, vector<1x256xf32>,
      %eq3A_76 = arith.constant 7 : i32
      %eq3A_77 = arith.cmpi eq, %arg1, %eq3A_76 : i32
      %convert_element_type3A_78 = arith.extui %eq3A_77 : i1 to i32
      %cond3A_79 = arith.constant 0 : i32
      %cond3A_80 = arith.cmpi ne, %convert_element_type3A_78, %cond3A_79 : i32
      scf.if %cond3A_80 {
        %get3A_81 = arith.constant 0 : index
        %get3A_82 = arith.constant 0 : index
        %get3A_83 = vector.load %arg8[%get3A_81, %get3A_82] : memref<1x256xf32, #tpu.memory_space<vmem>>, vector<1x256xf32>
        %get3A_84 = arith.constant 0 : index
        %get3A_85 = arith.constant 0 : index
        %get3A_86 = vector.load %arg10[%get3A_84, %get3A_85] : memref<1x256xf32, #tpu.memory_space<vmem>>, vector<1x256xf32>
        %get3A_87 = arith.constant 0 : index
        %get3A_88 = arith.constant 0 : index
        %get3A_89 = vector.load %arg11[%get3A_87, %get3A_88] : memref<1x256xf32, #tpu.memory_space<vmem>>, vector<1x256xf32>
        %get3A_90 = arith.constant 0 : index
        %get3A_91 = arith.constant 0 : index
        %get3A_92 = vector.load %arg23[%get3A_90, %get3A_91] : memref<2x256xf32, #tpu.memory_space<vmem>>, vector<1x256xf32>
        %div3A = arith.constant 1.638400e+04 : f32
        %div3A_93 = vector.broadcast %div3A : f32 to vector<1x256xf32>
        %div3A_94 = arith.divf %get3A_92, %div3A_93 : vector<1x256xf32>
        %get3A_95 = arith.constant 1 : index
        %get3A_96 = arith.constant 0 : index
        %get3A_97 = vector.load %arg23[%get3A_95, %get3A_96] : memref<2x256xf32, #tpu.memory_space<vmem>>, vector<1x256xf32>
        %div3A_98 = arith.constant 1.638400e+04 : f32
        %div3A_99 = vector.broadcast %div3A_98 : f32 to vector<1x256xf32>
        %div3A_100 = arith.divf %get3A_97, %div3A_99 : vector<1x256xf32>
        %mul3A_101 = arith.mulf %div3A_94, %div3A_94 : vector<1x256xf32>
        %sub3A = arith.subf %div3A_100, %mul3A_101 : vector<1x256xf32>
        %mul3A_102 = arith.mulf %get3A_83, %get3A_83 : vector<1x256xf32>
        %mul3A_103 = arith.mulf %mul3A_102, %sub3A : vector<1x256xf32>
        %add3A_104 = arith.constant 9.99999974E-6 : f32
        %add3A_105 = vector.broadcast %add3A_104 : f32 to vector<1x256xf32>
        %add3A_106 = arith.addf %sub3A, %add3A_105 : vector<1x256xf32>
        %div3A_107 = arith.divf %mul3A_103, %add3A_106 : vector<1x256xf32>
        %mul3A_108 = arith.mulf %get3A_83, %get3A_86 : vector<1x256xf32>
        %add3A_109 = arith.constant 9.99999974E-6 : f32
        %add3A_110 = vector.broadcast %add3A_109 : f32 to vector<1x256xf32>
        %add3A_111 = arith.addf %sub3A, %add3A_110 : vector<1x256xf32>
        %rsqrt3A = math.rsqrt %add3A_111 : vector<1x256xf32>
        %mul3A_112 = arith.mulf %mul3A_108, %rsqrt3A : vector<1x256xf32>
        %add3A_113 = arith.constant 9.99999974E-6 : f32
        %add3A_114 = vector.broadcast %add3A_113 : f32 to vector<1x256xf32>
        %add3A_115 = arith.addf %div3A_107, %add3A_114 : vector<1x256xf32>
        %rsqrt3A_116 = math.rsqrt %add3A_115 : vector<1x256xf32>
        %mul3A_117 = arith.mulf %mul3A_112, %rsqrt3A_116 : vector<1x256xf32>
        %swap3A_118 = arith.constant 0 : index
        %swap3A_119 = arith.constant 0 : index
        %swap3A_120 = vector.load %arg25[%swap3A_118, %swap3A_119] : memref<2x256xf32, #tpu.memory_space<vmem>>, vector<1x256xf32>
        tpu.vector_store %arg25[%swap3A_118, %swap3A_119], %mul3A_117 {strides = array<i32>} : memref<2x256xf32, #tpu.memory_space<vmem>>, vector<1x256xf32>,
        %mul3A_121 = arith.mulf %div3A_94, %mul3A_117 : vector<1x256xf32>
        %sub3A_122 = arith.subf %get3A_89, %mul3A_121 : vector<1x256xf32>
        %swap3A_123 = arith.constant 1 : index
        %swap3A_124 = arith.constant 0 : index
        %swap3A_125 = vector.load %arg25[%swap3A_123, %swap3A_124] : memref<2x256xf32, #tpu.memory_space<vmem>>, vector<1x256xf32>
        tpu.vector_store %arg25[%swap3A_123, %swap3A_124], %sub3A_122 {strides = array<i32>} : memref<2x256xf32, #tpu.memory_space<vmem>>, vector<1x256xf32>,
      } else {
      }
    } else {
    }
    %eq3A_2 = arith.constant 1 : i32
    %eq3A_3 = arith.cmpi eq, %arg0, %eq3A_2 : i32
    %convert_element_type3A_4 = arith.extui %eq3A_3 : i1 to i32
    %cond3A_5 = arith.constant 0 : i32
    %cond3A_6 = arith.cmpi ne, %convert_element_type3A_4, %cond3A_5 : i32
    scf.if %cond3A_6 {
      %eq3A_12 = arith.constant 0 : i32
      %eq3A_13 = arith.cmpi eq, %arg1, %eq3A_12 : i32
      %convert_element_type3A_14 = arith.extui %eq3A_13 : i1 to i32
      %cond3A_15 = arith.constant 0 : i32
      %cond3A_16 = arith.cmpi ne, %convert_element_type3A_14, %cond3A_15 : i32
      scf.if %cond3A_16 {
        %broadcast_in_dim3A_68 = arith.constant 0.000000e+00 : f32
        %broadcast_in_dim3A_69 = vector.broadcast %broadcast_in_dim3A_68 : f32 to vector<2x128xf32>
        %swap3A_70 = arith.constant 0 : index
        %swap3A_71 = arith.constant 0 : index
        %swap3A_72 = vector.load %arg24[%swap3A_70, %swap3A_71] : memref<2x128xf32, #tpu.memory_space<vmem>>, vector<2x128xf32>
        tpu.vector_store %arg24[%swap3A_70, %swap3A_71], %broadcast_in_dim3A_69 {strides = array<i32>} : memref<2x128xf32, #tpu.memory_space<vmem>>, vector<2x128xf32>,
      } else {
      }
      %mul3A = arith.constant 2048 : i32
      %mul3A_17 = arith.muli %arg1, %mul3A : i32
      %get3A = arith.index_cast %mul3A_17 : i32 to index
      %get3A_18 = arith.constant 0 : index
      %get3A_19 = vector.load %arg21[%get3A, %get3A_18] : memref<16384x256xf32, #tpu.memory_space<vmem>>, vector<2048x256xf32>
      %get3A_20 = arith.constant 0 : index
      %get3A_21 = arith.constant 0 : index
      %get3A_22 = vector.load %arg25[%get3A_20, %get3A_21] : memref<2x256xf32, #tpu.memory_space<vmem>>, vector<1x256xf32>
      %mul3A_23 = vector.broadcast %get3A_22 : vector<1x256xf32> to vector<2048x256xf32>
      %mul3A_24 = arith.mulf %get3A_19, %mul3A_23 : vector<2048x256xf32>
      %get3A_25 = arith.constant 1 : index
      %get3A_26 = arith.constant 0 : index
      %get3A_27 = vector.load %arg25[%get3A_25, %get3A_26] : memref<2x256xf32, #tpu.memory_space<vmem>>, vector<1x256xf32>
      %add3A = vector.broadcast %get3A_27 : vector<1x256xf32> to vector<2048x256xf32>
      %add3A_28 = arith.addf %mul3A_24, %add3A : vector<2048x256xf32>
      %max3A = arith.constant 0.000000e+00 : f32
      %max3A_29 = vector.broadcast %max3A : f32 to vector<2048x256xf32>
      %max3A_30 = arith.maximumf %add3A_28, %max3A_29 : vector<2048x256xf32>
      %get3A_31 = arith.constant 0 : index
      %get3A_32 = arith.constant 0 : index
      %get3A_33 = vector.load %arg12[%get3A_31, %get3A_32] : memref<256x128xf32, #tpu.memory_space<vmem>>, vector<256x128xf32>
      %dot_general3A = arith.constant dense<0.000000e+00> : vector<2048x128xf32>
      %dot_general3A_34 = tpu.matmul %max3A_30, %get3A_33, %dot_general3A {dimension_numbers = #tpu.dot_dimension_numbers<[1], [0], [0], [1], [0, 0, 1, 1], [], []>, transpose_lhs_hint = false} : vector<2048x256xf32>, vector<256x128xf32>, vector<2048x128xf32> -> vector<2048x128xf32>
      %get3A_35 = arith.constant 0 : index
      %get3A_36 = arith.constant 0 : index
      %get3A_37 = vector.load %arg13[%get3A_35, %get3A_36] : memref<1x128xf32, #tpu.memory_space<vmem>>, vector<1x128xf32>
      %add3A_38 = vector.broadcast %get3A_37 : vector<1x128xf32> to vector<2048x128xf32>
      %add3A_39 = arith.addf %dot_general3A_34, %add3A_38 : vector<2048x128xf32>
      %mul3A_40 = arith.constant 2048 : i32
      %mul3A_41 = arith.muli %arg1, %mul3A_40 : i32
      %swap3A = arith.index_cast %mul3A_41 : i32 to index
      %swap3A_42 = arith.constant 0 : index
      %swap3A_43 = vector.load %arg22[%swap3A, %swap3A_42] : memref<16384x128xf32, #tpu.memory_space<vmem>>, vector<2048x128xf32>
      tpu.vector_store %arg22[%swap3A, %swap3A_42], %add3A_39 {strides = array<i32>} : memref<16384x128xf32, #tpu.memory_space<vmem>>, vector<2048x128xf32>,
      %get3A_44 = arith.constant 0 : index
      %get3A_45 = arith.constant 0 : index
      %get3A_46 = vector.load %arg24[%get3A_44, %get3A_45] : memref<2x128xf32, #tpu.memory_space<vmem>>, vector<1x128xf32>
      %reduce_sum3A = arith.constant dense<0.000000e+00> : vector<128xf32>
      %reduce_sum3A_47 = vector.multi_reduction <add>, %add3A_39, %reduce_sum3A [0] : vector<2048x128xf32> to vector<128xf32>
      %broadcast_in_dim3A = vector.shape_cast %reduce_sum3A_47 : vector<128xf32> to vector<1x128xf32>
      %add3A_48 = arith.addf %get3A_46, %broadcast_in_dim3A : vector<1x128xf32>
      %swap3A_49 = arith.constant 0 : index
      %swap3A_50 = arith.constant 0 : index
      %swap3A_51 = vector.load %arg24[%swap3A_49, %swap3A_50] : memref<2x128xf32, #tpu.memory_space<vmem>>, vector<1x128xf32>
      tpu.vector_store %arg24[%swap3A_49, %swap3A_50], %add3A_48 {strides = array<i32>} : memref<2x128xf32, #tpu.memory_space<vmem>>, vector<1x128xf32>,
      %get3A_52 = arith.constant 1 : index
      %get3A_53 = arith.constant 0 : index
      %get3A_54 = vector.load %arg24[%get3A_52, %get3A_53] : memref<2x128xf32, #tpu.memory_space<vmem>>, vector<1x128xf32>
      %mul3A_55 = arith.mulf %add3A_39, %add3A_39 : vector<2048x128xf32>
      %reduce_sum3A_56 = arith.constant dense<0.000000e+00> : vector<128xf32>
      %reduce_sum3A_57 = vector.multi_reduction <add>, %mul3A_55, %reduce_sum3A_56 [0] : vector<2048x128xf32> to vector<128xf32>
      %broadcast_in_dim3A_58 = vector.shape_cast %reduce_sum3A_57 : vector<128xf32> to vector<1x128xf32>
      %add3A_59 = arith.addf %get3A_54, %broadcast_in_dim3A_58 : vector<1x128xf32>
      %swap3A_60 = arith.constant 1 : index
      %swap3A_61 = arith.constant 0 : index
      %swap3A_62 = vector.load %arg24[%swap3A_60, %swap3A_61] : memref<2x128xf32, #tpu.memory_space<vmem>>, vector<1x128xf32>
      tpu.vector_store %arg24[%swap3A_60, %swap3A_61], %add3A_59 {strides = array<i32>} : memref<2x128xf32, #tpu.memory_space<vmem>>, vector<1x128xf32>,
      %eq3A_63 = arith.constant 7 : i32
      %eq3A_64 = arith.cmpi eq, %arg1, %eq3A_63 : i32
      %convert_element_type3A_65 = arith.extui %eq3A_64 : i1 to i32
      %cond3A_66 = arith.constant 0 : i32
      %cond3A_67 = arith.cmpi ne, %convert_element_type3A_65, %cond3A_66 : i32
      scf.if %cond3A_67 {
        %get3A_68 = arith.constant 0 : index
        %get3A_69 = arith.constant 0 : index
        %get3A_70 = vector.load %arg14[%get3A_68, %get3A_69] : memref<1x128xf32, #tpu.memory_space<vmem>>, vector<1x128xf32>
        %get3A_71 = arith.constant 0 : index
        %get3A_72 = arith.constant 0 : index
        %get3A_73 = vector.load %arg16[%get3A_71, %get3A_72] : memref<1x128xf32, #tpu.memory_space<vmem>>, vector<1x128xf32>
        %get3A_74 = arith.constant 0 : index
        %get3A_75 = arith.constant 0 : index
        %get3A_76 = vector.load %arg17[%get3A_74, %get3A_75] : memref<1x128xf32, #tpu.memory_space<vmem>>, vector<1x128xf32>
        %get3A_77 = arith.constant 0 : index
        %get3A_78 = arith.constant 0 : index
        %get3A_79 = vector.load %arg24[%get3A_77, %get3A_78] : memref<2x128xf32, #tpu.memory_space<vmem>>, vector<1x128xf32>
        %div3A = arith.constant 1.638400e+04 : f32
        %div3A_80 = vector.broadcast %div3A : f32 to vector<1x128xf32>
        %div3A_81 = arith.divf %get3A_79, %div3A_80 : vector<1x128xf32>
        %get3A_82 = arith.constant 1 : index
        %get3A_83 = arith.constant 0 : index
        %get3A_84 = vector.load %arg24[%get3A_82, %get3A_83] : memref<2x128xf32, #tpu.memory_space<vmem>>, vector<1x128xf32>
        %div3A_85 = arith.constant 1.638400e+04 : f32
        %div3A_86 = vector.broadcast %div3A_85 : f32 to vector<1x128xf32>
        %div3A_87 = arith.divf %get3A_84, %div3A_86 : vector<1x128xf32>
        %mul3A_88 = arith.mulf %div3A_81, %div3A_81 : vector<1x128xf32>
        %sub3A = arith.subf %div3A_87, %mul3A_88 : vector<1x128xf32>
        %mul3A_89 = arith.mulf %get3A_70, %get3A_70 : vector<1x128xf32>
        %mul3A_90 = arith.mulf %mul3A_89, %sub3A : vector<1x128xf32>
        %add3A_91 = arith.constant 9.99999974E-6 : f32
        %add3A_92 = vector.broadcast %add3A_91 : f32 to vector<1x128xf32>
        %add3A_93 = arith.addf %sub3A, %add3A_92 : vector<1x128xf32>
        %div3A_94 = arith.divf %mul3A_90, %add3A_93 : vector<1x128xf32>
        %mul3A_95 = arith.mulf %get3A_70, %get3A_73 : vector<1x128xf32>
        %add3A_96 = arith.constant 9.99999974E-6 : f32
        %add3A_97 = vector.broadcast %add3A_96 : f32 to vector<1x128xf32>
        %add3A_98 = arith.addf %sub3A, %add3A_97 : vector<1x128xf32>
        %rsqrt3A = math.rsqrt %add3A_98 : vector<1x128xf32>
        %mul3A_99 = arith.mulf %mul3A_95, %rsqrt3A : vector<1x128xf32>
        %add3A_100 = arith.constant 9.99999974E-6 : f32
        %add3A_101 = vector.broadcast %add3A_100 : f32 to vector<1x128xf32>
        %add3A_102 = arith.addf %div3A_94, %add3A_101 : vector<1x128xf32>
        %rsqrt3A_103 = math.rsqrt %add3A_102 : vector<1x128xf32>
        %mul3A_104 = arith.mulf %mul3A_99, %rsqrt3A_103 : vector<1x128xf32>
        %swap3A_105 = arith.constant 0 : index
        %swap3A_106 = arith.constant 0 : index
        %swap3A_107 = vector.load %arg26[%swap3A_105, %swap3A_106] : memref<2x128xf32, #tpu.memory_space<vmem>>, vector<1x128xf32>
        tpu.vector_store %arg26[%swap3A_105, %swap3A_106], %mul3A_104 {strides = array<i32>} : memref<2x128xf32, #tpu.memory_space<vmem>>, vector<1x128xf32>,
        %mul3A_108 = arith.mulf %div3A_81, %mul3A_104 : vector<1x128xf32>
        %sub3A_109 = arith.subf %get3A_76, %mul3A_108 : vector<1x128xf32>
        %swap3A_110 = arith.constant 1 : index
        %swap3A_111 = arith.constant 0 : index
        %swap3A_112 = vector.load %arg26[%swap3A_110, %swap3A_111] : memref<2x128xf32, #tpu.memory_space<vmem>>, vector<1x128xf32>
        tpu.vector_store %arg26[%swap3A_110, %swap3A_111], %sub3A_109 {strides = array<i32>} : memref<2x128xf32, #tpu.memory_space<vmem>>, vector<1x128xf32>,
      } else {
      }
    } else {
    }
    %eq3A_7 = arith.constant 2 : i32
    %eq3A_8 = arith.cmpi eq, %arg0, %eq3A_7 : i32
    %convert_element_type3A_9 = arith.extui %eq3A_8 : i1 to i32
    %cond3A_10 = arith.constant 0 : i32
    %cond3A_11 = arith.cmpi ne, %convert_element_type3A_9, %cond3A_10 : i32
    scf.if %cond3A_11 {
      %mul3A = arith.constant 2048 : i32
      %mul3A_12 = arith.muli %arg1, %mul3A : i32
      %get3A = arith.index_cast %mul3A_12 : i32 to index
      %get3A_13 = arith.constant 0 : index
      %get3A_14 = vector.load %arg22[%get3A, %get3A_13] : memref<16384x128xf32, #tpu.memory_space<vmem>>, vector<2048x128xf32>
      %get3A_15 = arith.constant 0 : index
      %get3A_16 = arith.constant 0 : index
      %get3A_17 = vector.load %arg26[%get3A_15, %get3A_16] : memref<2x128xf32, #tpu.memory_space<vmem>>, vector<1x128xf32>
      %mul3A_18 = vector.broadcast %get3A_17 : vector<1x128xf32> to vector<2048x128xf32>
      %mul3A_19 = arith.mulf %get3A_14, %mul3A_18 : vector<2048x128xf32>
      %get3A_20 = arith.constant 1 : index
      %get3A_21 = arith.constant 0 : index
      %get3A_22 = vector.load %arg26[%get3A_20, %get3A_21] : memref<2x128xf32, #tpu.memory_space<vmem>>, vector<1x128xf32>
      %add3A = vector.broadcast %get3A_22 : vector<1x128xf32> to vector<2048x128xf32>
      %add3A_23 = arith.addf %mul3A_19, %add3A : vector<2048x128xf32>
      %max3A = arith.constant 0.000000e+00 : f32
      %max3A_24 = vector.broadcast %max3A : f32 to vector<2048x128xf32>
      %max3A_25 = arith.maximumf %add3A_23, %max3A_24 : vector<2048x128xf32>
      %get3A_26 = arith.constant 0 : index
      %get3A_27 = arith.constant 0 : index
      %get3A_28 = vector.load %arg18[%get3A_26, %get3A_27] : memref<128x1xf32, #tpu.memory_space<vmem>>, vector<128x1xf32>
      %dot_general3A = arith.constant dense<0.000000e+00> : vector<2048x1xf32>
      %dot_general3A_29 = tpu.matmul %max3A_25, %get3A_28, %dot_general3A {dimension_numbers = #tpu.dot_dimension_numbers<[1], [0], [0], [1], [0, 0, 1, 1], [], []>, transpose_lhs_hint = false} : vector<2048x128xf32>, vector<128x1xf32>, vector<2048x1xf32> -> vector<2048x1xf32>
      %get3A_30 = arith.constant 0 : index
      %get3A_31 = arith.constant 0 : index
      %get3A_32 = vector.load %arg19[%get3A_30, %get3A_31] : memref<1x1xf32, #tpu.memory_space<vmem>>, vector<1x1xf32>
      %add3A_33 = vector.broadcast %get3A_32 : vector<1x1xf32> to vector<2048x1xf32>
      %add3A_34 = arith.addf %dot_general3A_29, %add3A_33 : vector<2048x1xf32>
      %logistic3A = arith.negf %add3A_34 : vector<2048x1xf32>
      %logistic3A_35 = math.exp %logistic3A : vector<2048x1xf32>
      %logistic3A_36 = arith.constant 1.000000e+00 : f32
      %logistic3A_37 = vector.broadcast %logistic3A_36 : f32 to vector<2048x1xf32>
      %logistic3A_38 = arith.addf %logistic3A_37, %logistic3A_35 : vector<2048x1xf32>
      %logistic3A_39 = arith.divf %logistic3A_37, %logistic3A_38 : vector<2048x1xf32>
      %swap3A = arith.constant 0 : index
      %swap3A_40 = arith.constant 0 : index
      %swap3A_41 = vector.load %arg20[%swap3A, %swap3A_40] : memref<2048x1xf32, #tpu.memory_space<vmem>>, vector<2048x1xf32>
      tpu.vector_store %arg20[%swap3A, %swap3A_40], %logistic3A_39 {strides = array<i32>} : memref<2048x1xf32, #tpu.memory_space<vmem>>, vector<2048x1xf32>,
    } else {
    }
    return
  }
  func.func @transform_0(%arg0: i32, %arg1: i32) -> (i32, i32) {
    %eq3A = arith.constant 0 : i32
    %eq3A_0 = arith.cmpi eq, %arg0, %eq3A : i32
    %jit3A = arith.constant 0 : i32
    %select_n3A = arith.select %eq3A_0, %arg1, %jit3A : i32
    %c0_i32 = arith.constant 0 : i32
    %c0_i32_1 = arith.constant 0 : i32
    return %select_n3A, %c0_i32 : i32, i32
  }
  func.func @transform_1(%arg0: i32, %arg1: i32) -> (i32, i32) {
    %eq3A = arith.constant 0 : i32
    %eq3A_0 = arith.cmpi eq, %arg0, %eq3A : i32
    %jit3A = arith.constant 0 : i32
    %select_n3A = arith.select %eq3A_0, %arg1, %jit3A : i32
    %c0_i32 = arith.constant 0 : i32
    %c0_i32_1 = arith.constant 0 : i32
    return %select_n3A, %c0_i32 : i32, i32
  }
  func.func @transform_2(%arg0: i32, %arg1: i32) -> (i32, i32) {
    %eq3A = arith.constant 0 : i32
    %eq3A_0 = arith.cmpi eq, %arg0, %eq3A : i32
    %jit3A = arith.constant 0 : i32
    %select_n3A = arith.select %eq3A_0, %arg1, %jit3A : i32
    %c0_i32 = arith.constant 0 : i32
    %c0_i32_1 = arith.constant 0 : i32
    return %select_n3A, %c0_i32 : i32, i32
  }
  func.func @transform_3(%arg0: i32, %arg1: i32) -> (i32, i32) {
    %eq3A = arith.constant 0 : i32
    %eq3A_0 = arith.cmpi eq, %arg0, %eq3A : i32
    %jit3A = arith.constant 0 : i32
    %select_n3A = arith.select %eq3A_0, %arg1, %jit3A : i32
    %c0_i32 = arith.constant 0 : i32
    %c0_i32_1 = arith.constant 0 : i32
    return %select_n3A, %c0_i32 : i32, i32
  }
  func.func @transform_4(%arg0: i32, %arg1: i32) -> (i32, i32) {
    %c0_i32 = arith.constant 0 : i32
    %c0_i32_0 = arith.constant 0 : i32
    %c0_i32_1 = arith.constant 0 : i32
    return %c0_i32, %c0_i32_0 : i32, i32
  }
  func.func @transform_5(%arg0: i32, %arg1: i32) -> (i32, i32) {
    %c0_i32 = arith.constant 0 : i32
    %c0_i32_0 = arith.constant 0 : i32
    %c0_i32_1 = arith.constant 0 : i32
    return %c0_i32, %c0_i32_0 : i32, i32
  }
  func.func @transform_6(%arg0: i32, %arg1: i32) -> (i32, i32) {
    %c0_i32 = arith.constant 0 : i32
    %c0_i32_0 = arith.constant 0 : i32
    %c0_i32_1 = arith.constant 0 : i32
    return %c0_i32, %c0_i32_0 : i32, i32
  }
  func.func @transform_7(%arg0: i32, %arg1: i32) -> (i32, i32) {
    %c0_i32 = arith.constant 0 : i32
    %c0_i32_0 = arith.constant 0 : i32
    %c0_i32_1 = arith.constant 0 : i32
    return %c0_i32, %c0_i32_0 : i32, i32
  }
  func.func @transform_8(%arg0: i32, %arg1: i32) -> (i32, i32) {
    %c0_i32 = arith.constant 0 : i32
    %c0_i32_0 = arith.constant 0 : i32
    %c0_i32_1 = arith.constant 0 : i32
    return %c0_i32, %c0_i32_0 : i32, i32
  }
  func.func @transform_9(%arg0: i32, %arg1: i32) -> (i32, i32) {
    %c0_i32 = arith.constant 0 : i32
    %c0_i32_0 = arith.constant 0 : i32
    %c0_i32_1 = arith.constant 0 : i32
    return %c0_i32, %c0_i32_0 : i32, i32
  }
  func.func @transform_10(%arg0: i32, %arg1: i32) -> (i32, i32) {
    %c0_i32 = arith.constant 0 : i32
    %c0_i32_0 = arith.constant 0 : i32
    %c0_i32_1 = arith.constant 0 : i32
    return %c0_i32, %c0_i32_0 : i32, i32
  }
  func.func @transform_11(%arg0: i32, %arg1: i32) -> (i32, i32) {
    %c0_i32 = arith.constant 0 : i32
    %c0_i32_0 = arith.constant 0 : i32
    %c0_i32_1 = arith.constant 0 : i32
    return %c0_i32, %c0_i32_0 : i32, i32
  }
  func.func @transform_12(%arg0: i32, %arg1: i32) -> (i32, i32) {
    %c0_i32 = arith.constant 0 : i32
    %c0_i32_0 = arith.constant 0 : i32
    %c0_i32_1 = arith.constant 0 : i32
    return %c0_i32, %c0_i32_0 : i32, i32
  }
  func.func @transform_13(%arg0: i32, %arg1: i32) -> (i32, i32) {
    %c0_i32 = arith.constant 0 : i32
    %c0_i32_0 = arith.constant 0 : i32
    %c0_i32_1 = arith.constant 0 : i32
    return %c0_i32, %c0_i32_0 : i32, i32
  }
  func.func @transform_14(%arg0: i32, %arg1: i32) -> (i32, i32) {
    %c0_i32 = arith.constant 0 : i32
    %c0_i32_0 = arith.constant 0 : i32
    %c0_i32_1 = arith.constant 0 : i32
    return %c0_i32, %c0_i32_0 : i32, i32
  }
  func.func @transform_15(%arg0: i32, %arg1: i32) -> (i32, i32) {
    %c0_i32 = arith.constant 0 : i32
    %c0_i32_0 = arith.constant 0 : i32
    %c0_i32_1 = arith.constant 0 : i32
    return %c0_i32, %c0_i32_0 : i32, i32
  }
  func.func @transform_16(%arg0: i32, %arg1: i32) -> (i32, i32) {
    %c0_i32 = arith.constant 0 : i32
    %c0_i32_0 = arith.constant 0 : i32
    %c0_i32_1 = arith.constant 0 : i32
    return %c0_i32, %c0_i32_0 : i32, i32
  }
  func.func @transform_17(%arg0: i32, %arg1: i32) -> (i32, i32) {
    %c0_i32 = arith.constant 0 : i32
    %c0_i32_0 = arith.constant 0 : i32
    %c0_i32_1 = arith.constant 0 : i32
    return %c0_i32, %c0_i32_0 : i32, i32
  }
  func.func @transform_18(%arg0: i32, %arg1: i32) -> (i32, i32) {
    %c0_i32 = arith.constant 0 : i32
    %c0_i32_0 = arith.constant 0 : i32
    return %arg1, %c0_i32 : i32, i32
  }
}

</mosaic_0001>

<sc_bundles>
// kernel: kernel.5.cloned.1.call-start
scs
__scs_entry_jumppad:
0x0: {  	(pc) =	sbr.rel $0x88, $3  }
0x1: {  	(tag) =	ssettag $0x0;
	lr =	simm.s32 $0x1  }
0x2: {  	[smem:$0x3F91] =	sst lr;
	_ =	strace $0xD0000000  }
0x3: {  	_ = 	snop  }
0x4: {  	_ = 	snop  }
0x5: {  	_ = 	snop  }
0x6: {  	_ = 	snop  }
0x7: {  	_ = 	snop  }
__scs_overlays_trampoline_lowered:
0x8: {  	[smem:$0x3FA0] =	sst s0  }
0x9: {  	[smem:$0x3FA1] =	sst s1  }
0xa: {  	[smem:$0x3FA2] =	sst s2  }
0xb: {  	[smem:$0x3FA3] =	sst s3  }
0xc: {  	[smem:$0x3FA4] =	sst s4  }
0xd: {  	[smem:$0x3FA5] =	sst s5  }
0xe: {  	[smem:$0x3FA6] =	sst s6  }
0xf: {  	[smem:$0x3FA7] =	sst s7  }
0x10: {  	[smem:$0x3FA8] =	sst s8  }
0x11: {  	[smem:$0x3FA9] =	sst s9;
	s0 =	simm.s32 @!p0 $0x0  }
0x12: {  	s1 =	sld [smem:$0x3F8F];
	s0 =	simm.s32 @p0 $0x1  }
0x13: {  	[smem:$0x3FAA] =	sst s0;
	s0 =	simm.s32 @!p1 $0x0  }
0x14: {  	s2 =	sld [smem:$0x3F8E];
	s0 =	simm.s32 @p1 $0x1  }
0x15: {  	[smem:$0x3FAB] =	sst s0;
	s0 =	simm.s32 @!p2 $0x0  }
0x16: {  	s3 =	sld [smem:$0x3FDB];
	s0 =	simm.s32 @p2 $0x1  }
0x17: {  	s4 =	simm.s32 $0x1BF5;
	[smem:$0x3FAD] =	sst s0  }
0x18: {  	s0 =	sld [smem:$0x3F90];
	_ =	swait.ge [sflag:s4], $0x0  }
0x19: {  	s7 =	sld [smem:$0x3F91]  }
0x1a: {  	s8 =	sadd.s32 $0xFFFFE003, lr  }
0x1b: {  	s9 =	sadd.s32 $0xFFFFFEF7, lr;
	s5 =	simm.s32 $0xFFFFFFFF;
	p2 =	slt.u32 s8, $0xFFFFF086  }
0x1c: {  	p1 =	slt.u32 s9, $0xF7A;
	s5 =	simm.s32 @!p2 $0x0  }
0x1d: {  	s5 =	simm.s32 @p1 $0x1;
	p0 =	seq.s32 s7, s2  }
0x1e: {  	s7 =	smul.u32 @!p0 $0xF7A, s2;
	p2 =	seq.s32 @!p0 s5, $0x0  }
0x1f: {  	s9 =	smul.u32 $0xF7A, s1;
	s8 =	simm.s32 @!p0 $0x1BF5;
	p2 =	por !p2, p0  }
0x20: {  	[sflag:s8] =	ssyncset.s32 @!p0 $0xFFFFF086;
	s6 =	sadd.s32 @!p0 s3, s7;
	s7 =	simm.s32 @!p0 $0x108  }
0x21: {  	s3 =	sadd.s32 s3, s9;
	s6 =	sadd.s32 @!p0 $0x88, s6;
	s7 =	simm.s32 @p2 $0x1082  }
0x22: {  	[simem:s7], [sflag:s8] =	dma.local @!p0 [hbm:s6], $0xF7A  }
0x23: {  	s9 =	sor.u32 $0xD0000000, s2;
	s6 =	simm.s32 $0x108;
	_ =	swait.ge @!p0 [sflag:s8], $0x0  }
0x24: {  	s3 =	sadd.s32 $0x88, s3;
	s6 =	simm.s32 @!p1 $0x1082;
	[sflag:s4] =	ssyncset.s32 $0xFFFFF086  }
0x25: {  	[simem:s6], [sflag:s4] =	dma.local [hbm:s3], $0xF7A  }
0x26: {  	[smem:$0x3F91] =	sst s1;
	(tag) =	ssettag s2;
	_ =	strace s9  }
0x27: {  	s1 =	sld [smem:$0x3FA1]  }
0x28: {  	s2 =	sld [smem:$0x3FA2]  }
0x29: {  	s4 =	sld [smem:$0x3FA4]  }
0x2a: {  	p0 =	seq.s32 s5, $0x0;
	s5 =	sld [smem:$0x3FA5]  }
0x2b: {  	s6 =	sld [smem:$0x3FA6]  }
0x2c: {  	s7 =	sld [smem:$0x3FA7]  }
0x2d: {  	s3 =	simm.s32 $0x108;
	s8 =	sld [smem:$0x3FA8]  }
0x2e: {  	s3 =	simm.s32 @!p0 $0x1082;
	s9 =	sld [smem:$0x3FA9]  }
0x2f: {  	lr =	sadd.s32 s0, s3;
	s0 =	sld [smem:$0x3FA0]  }
0x30: {  	s3 =	sld [smem:$0x3FA3]  }
0x31: {  	[smem:$0x3FAC] =	sst s10  }
0x32: {  	s10 =	sld [smem:$0x3FAA];
	_ =	sdelay $0x3  }
0x33: {  	p0 =	seq.s32 s10, $0x1;
	s10 =	sld [smem:$0x3FAC];
	_ =	sdelay $0x3  }
0x34: {  	[smem:$0x3FAC] =	sst s10  }
0x35: {  	s10 =	sld [smem:$0x3FAB];
	_ =	sdelay $0x3  }
0x36: {  	p1 =	seq.s32 s10, $0x1;
	s10 =	sld [smem:$0x3FAC];
	_ =	sdelay $0x3  }
0x37: {  	[smem:$0x3FAC] =	sst s10  }
0x38: {  	s10 =	sld [smem:$0x3FAD]  }
0x39: {  	_ = 	snop;
	(pc) =	sbr.ind lr, $3  }
0x3a: {  	_ = 	snop  }
0x3b: {  	_ = 	snop  }
0x3c: {  	p2 =	seq.s32 s10, $0x1;
	s10 =	sld [smem:$0x3FAC]  }
0x3d: {  	_ =	shalt  }
0x3e: {  	_ =	shalt  }
0x3f: {  	_ =	shalt  }
0x40: {  	_ =	shalt  }
0x41: {  	_ =	shalt  }
0x42: {  	_ =	shalt  }
0x43: {  	_ =	shalt  }
0x44: {  	_ =	shalt  }
0x45: {  	_ =	shalt  }
0x46: {  	_ =	shalt  }
0x47: {  	_ =	shalt  }
0x48: {  	_ =	shalt  }
0x49: {  	_ =	shalt  }
0x4a: {  	_ =	shalt  }
0x4b: {  	_ =	shalt  }
0x4c: {  	_ =	shalt  }
0x4d: {  	_ =	shalt  }
0x4e: {  	_ =	shalt  }
0x4f: {  	_ =	shalt  }
0x50: {  	_ =	shalt  }
0x51: {  	_ =	shalt  }
0x52: {  	_ =	shalt  }
0x53: {  	_ =	shalt  }
0x54: {  	_ =	shalt  }
0x55: {  	_ =	shalt  }
0x56: {  	_ =	shalt  }
0x57: {  	_ =	shalt  }
0x58: {  	_ =	shalt  }
0x59: {  	_ =	shalt  }
0x5a: {  	_ =	shalt  }
0x5b: {  	_ =	shalt  }
0x5c: {  	_ =	shalt  }
0x5d: {  	_ =	shalt  }
0x5e: {  	_ =	shalt  }
0x5f: {  	_ =	shalt  }
0x60: {  	_ =	shalt  }
0x61: {  	_ =	shalt  }
0x62: {  	_ =	shalt  }
0x63: {  	_ =	shalt  }
0x64: {  	_ =	shalt  }
0x65: {  	_ =	shalt  }
0x66: {  	_ =	shalt  }
0x67: {  	_ =	shalt  }
0x68: {  	_ =	shalt  }
0x69: {  	_ =	shalt  }
0x6a: {  	_ =	shalt  }
0x6b: {  	_ =	shalt  }
0x6c: {  	_ =	shalt  }
0x6d: {  	_ =	shalt  }
0x6e: {  	_ =	shalt  }
0x6f: {  	_ =	shalt  }
0x70: {  	_ =	shalt  }
0x71: {  	_ =	shalt  }
0x72: {  	_ =	shalt  }
0x73: {  	_ =	shalt  }
0x74: {  	_ =	shalt  }
0x75: {  	_ =	shalt  }
0x76: {  	_ =	shalt  }
0x77: {  	_ =	shalt  }
0x78: {  	_ =	shalt  }
0x79: {  	_ =	shalt  }
0x7a: {  	_ =	shalt  }
0x7b: {  	_ =	shalt  }
0x7c: {  	_ =	shalt  }
0x7d: {  	_ =	shalt  }
0x7e: {  	_ =	shalt  }
0x7f: {  	_ =	shalt  }
0x80: {  	_ =	shalt  }
0x81: {  	_ =	shalt  }
0x82: {  	_ =	shalt  }
0x83: {  	_ =	shalt  }
0x84: {  	_ =	shalt  }
0x85: {  	_ =	shalt  }
0x86: {  	_ =	shalt  }
0x87: {  	_ =	shalt  }
.Lfunc_end0:
.L_simem_size_0:
called_computation_lowered:
.L_overlay_start_0:
0x88: {  	s2 =	sld [smem:$0x3FD9]  }
0x89: {  	s3 =	sld [smem:$0x3FFE];
	_ =	sdelay $0x1  }
0x8a: {  	s1 =	srdreg.scid  }
0x8b: {  	s0 =	sand.u32 $0x1, s1  }
0x8c: {  	s16 =	sshll.u32 s0, $0xA;
	s2 =	sadd.s32 s3, s2  }
0x8d: {  	s2 =	sadd.s32 s2, s16  }
0x8e: {  	[smem:$0x3FB8] =	sst s2  }
0x8f: {  	_ = 	snop  }
0x90: {  	(tm) =	ssettm $0x1  }
0x91: {  	s17 =	sld [smem:$0x3FFB];
	_ =	sdelay $0x3  }
0x92: {  	_ =	strace s17  }
0x93: {  	s2 =	sld [smem:$0x3FFC];
	_ =	sdelay $0x3  }
0x94: {  	_ =	strace s2  }
0x95: {  	s2 =	sld [smem:$0x3FFD];
	_ =	sdelay $0x3  }
0x96: {  	_ =	strace s2  }
0x97: {  	_ =	strace $0x8FFFFFFF  }
0x98: {  	s18 =	sld [smem:$0x3FDB];
	_ =	sdelay $0x1  }
0x99: {  	s19 =	simm.s32 $_scs_section_size  }
0x9a: {  	s4 =	simm.s32 $_size__tile_overlayer_lowered;
	s5 =	simm.s32 $_tile_overlayer_lowered  }
0x9b: {  	s22 =	simm.s32 $0x1BFF;
	s21 =	sshll.u32 s5, $0x1;
	s2 =	sadd.s32 s19, s18  }
0x9c: {  	s6 =	simm.s32 $0x0;
	s20 =	sshll.u32 s4, $0x1;
	s4 =	sadd.s32 s21, s2  }
0x9d: {  	[timem:s6], [sflag:s22] =	dma.local [hbm:s4], s20  }
0x9e: {  	_ =	swait.ge [sflag:s22], s20  }
0x9f: {  	s3 =	ssub.s32 $0x0, s20;
	[sflag:s22] =	ssyncset.done $0x0  }
0xa0: {  	[sflag:s22] =	ssyncadd.s32 s3;
	_ =	sdelay $0x1  }
0xa1: {  	s23 =	simm.s32 $0x1B8B  }
0xa2: {  	_ =	swait.ge [sflag:s23], $0x1  }
0xa3: {  	[sflag:s23] =	ssyncset.done $0x0  }
0xa4: {  	s25 =	simm.s32 $0x1B8E;
	s24 =	sld [smem:$0x3FFE];
	[sflag:s23] =	ssyncadd.s32 $0xFFFFFFFF  }
0xa5: {  	s26 =	simm.s32 $execute0_lowered;
	[smem:$0x3FD2] =	sst s25  }
0xa6: {  	s4 =	sshll.u32 s26, $0x1;
	_ =	strace $0x80000046;
	[dreg:$0x1] =	wrdreg $0xFFFFFFFF  }
0xa7: {  	s28 =	simm.s32 $_size_execute0_lowered;
	s2 =	sadd.s32 s2, s4;
	[dreg:$0x0] =	wrdreg $0x0  }
0xa8: {  	s4 =	sshll.u32 s28, $0x1;
	[dreg:$0x2] =	wrdreg s2  }
0xa9: {  	[dreg:$0x3] =	wrdreg s4  }
0xaa: {  	[dreg:$0x4] =	wrdreg $0xC0  }
0xab: {  	_ =	task [dreg:s6], $0x5FFFF  }
0xac: {  	[dreg:$0x1] =	wrdreg $0xFFFFFFFF  }
0xad: {  	[dreg:$0x0] =	wrdreg $0x60  }
0xae: {  	[dreg:$0x2] =	wrdreg s24  }
0xaf: {  	[dreg:$0x3] =	wrdreg $0x9  }
0xb0: {  	_ =	task.clear_ibuf [dreg:s6], $0x4FFFF;
	_ =	strace $0x90000046  }
0xb1: {  	s29 =	simm.s32 $0x9;
	_ =	strace $0x80000048  }
0xb2: {  	_ =	swait.ge [sflag:s29], $0x1  }
0xb3: {  	[sflag:s29] =	ssyncadd.s32 $0xFFFFFFFF  }
0xb4: {  	_ =	strace $0x90000048  }
0xb5: {  	_ =	sfence  }
0xb6: {  	s30 =	sld [smem:$0x0];
	_ =	sdelay $0x2  }
0xb7: {  	s31 =	sshll.u32 s1, $0xD;
	s1 =	sshrl.u32 s1, $0x2  }
0xb8: {  	s3 =	sand.u32 $0x4000, s31;
	s1 =	sadd.s32 s1, s30  }
0xb9: {  	s0 =	sor.u32 s3, s0;
	s1 =	sshll.u32 s1, $0x11  }
0xba: {  	s0 =	sor.u32 s1, s0  }
0xbb: {  	s0 =	sadd.s32 $0x8F2B, s0  }
0xbc: {  	[sflag:s0] =	ssyncadd.remote.s32 $0x1  }
0xbd: {  	_ =	sfence.sel $0xFFFF  }
0xbe: {  	[dreg:$0x0] =	wrdreg $0xFFFFFFFF;
	(pc) =	sbr.abs _section_cstart, $3  }
0xbf: {  	[dreg:$0x1] =	wrdreg $0xFFFFFFFF  }
0xc0: {  	_ =	task.clear_ibuf [dreg:s6], $0x2FFFF;
	_ =	strace $0x9FFFFFFF  }
0xc1: {  	(tm) =	ssettm $0x7FFFFFFF  }
tec
execute0_lowered:
.L_overlay_start_1:
0x0: {  	(tag) =	ssettag $0x1  }
0x1: {  	s0 =	srdreg.scid  }
0x2: {  	s2 =	stileid.u32;
	s6 =	rddreg [dreg:$0x0];
	s24 =	simm.s32 $0x0  }
0x3: {  	s19 =	simm.s32 $0x80;
	s20 =	simm.s32 $0x3400;
	s25 =	smul.u32 $0x6800, s2  }
0x4: {  	s0 =	sand.u32 $0x1, s0;
	s4 =	sadd.s32 $0x62DC00, s6;
	s18 =	smul.u32 $0xD0, s2  }
0x5: {  	s1 =	sshll.u32 s2, $0x1;
	s5 =	sadd.s32 $0x66DC00, s6;
	s26 =	smul.u32 $0x3400, s0  }
0x6: {  	s1 =	sor.u32 s0, s1;
	s9 =	ssub.s32 $0x2, s0;
	s0 =	smul.u32 $0x68, s0  }
0x7: {  	[smem:$0x7FF] =	sst s24;
	s14 =	sadd.s32 $0x6ADC00, s6;
	s3 =	smul.u32 $0x680, s1  }
0x8: {  	s7 =	sadd.s32 $0x6EDC00, s6;
	s10 =	sshrl.u32 s9, $0x1;
	s11 =	smul.u32 $0x3400, s1  }
0x9: {  	_ =	strace $0x80000047;
	s1 =	smul.u32 $0x1A0000, s1;
	s21 =	ssub.s32 s9, s10  }
0xa: {  	s8 =	sadd.s32 s3, s6;
	s3 =	sadd.s32 $0xC00, s6;
	s13 =	sshrl.u32 s11, $0x11  }
0xb: {  	s12 =	sadd.s32 $0x400, s11;
	s23 =	sshrl.u32 s11, $0xA;
	s6 =	smax.u32 s21, $0x1  }
0xc: {  	s22 =	smul.u32 $0x188000, s13;
	s16 =	sshrl.u32 s12, $0x11;
	s8 =	sadd.s32 $0x620C00, s8  }
0xd: {  	s1 =	sor.u32 s23, s1;
	[dreg:$0x3] =	wrdreg s6;
	s17 =	sshrl.u32 s12, $0xA  }
0xe: {  	s12 =	sshll.u32 s12, $0x7;
	p0 =	sgt.s32 s13, $0x1;
	s23 =	simm.s32 $0x10  }
0xf: {  	[dreg:$0x2] =	wrdreg s8;
	s15 =	smul.u32 $0x188000, s16;
	s1 =	sand.u32 $0x1E0070, s1  }
0x10: {  	s17 =	sor.u32 s17, s12;
	p5 =	seq.s32 @p0 s13, $0x2;
	p4 =	seq.s32 @!p0 s13, $0x0  }
0x11: {  	p1 =	sgt.s32 s16, $0x1;
	p2 =	seq.s32 s16, $0x0;
	p3 =	seq.s32 s16, $0x2  }
0x12: {  	s10 =	sadd.s32 s3, s22;
	s11 =	sshrl.u32 s1, $0x3;
	s1 =	sadd.s32 s26, s25  }
0x13: {  	s30 =	sand.u32 $0x1E0070, s17;
	p5 =	por !p5, !p0;
	p6 =	por !p4, p0  }
0x14: {  	s22 =	simm.s32 $0x1;
	s12 =	sadd.s32 s3, s15;
	s26 =	sadd.s32 $0x800, s1  }
0x15: {  	s31 =	sshrl.u32 s30, $0x3;
	s15 =	sadd.s32 s0, s18;
	s0 =	simm.s32 @!p2 $0x0  }
0x16: {  	s18 =	simm.s32 $0x3;
	s0 =	simm.s32 @p2 $0x1;
	p2 =	seq.s32 s16, $0x1  }
.Ltmp0:
0x17: {  	[smem:$0x7FB] =	sst s0;
	s0 =	simm.s32 @!p2 $0x0;
	(pc) =	sbr.rel .LBB2_1-.Ltmp0, $4  }
0x18: {  	s1 =	simm.s32 $0x2;
	[dreg:$0x4] =	wrdreg s31;
	s0 =	simm.s32 @p2 $0x1  }
0x19: {  	s29 =	sshll.u32 s26, $0x7;
	[smem:$0x7FC] =	sst s0;
	s0 =	simm.s32 @!p3 $0x0  }
0x1a: {  	s28 =	sshrl.u32 s26, $0xA;
	p2 =	seq.s32 @!p3 s16, $0x3;
	s0 =	simm.s32 @p3 $0x1  }
0x1b: {  	p3 =	por p3, p2;
	[smem:$0x7FD] =	sst s0;
	s0 =	simm.s32 $0x0  }
.LBB2_19:
0x1c: {  	_ =	swait.ge [sflag:s1], $0x4000  }
0x1d: {  	[sflag:s1] =	ssyncset.done $0x0  }
0x1e: {  	[sflag:s1] =	ssyncadd.s32 $0xFFFFC000  }
0x1f: {  	_ =	swait.ge [sflag:s1], $0x4000  }
0x20: {  	s0 =	sadd.s32 $0x1, s0;
	s2 =	rddreg [dreg:$0x3]  }
0x21: {  	p2 =	sne.s32 s0, s2  }
.Ltmp1:
0x22: {  	_ = 	snop;
	(pc) =	sbr.rel @!p2 .LBB2_20-.Ltmp1, $3  }
0x23: {  	_ =	sdelay $0x1  }
0x24: {  	[sflag:s1] =	ssyncset.done $0x0  }
0x25: {  	s24 =	simm.s32 $0x0;
	[sflag:s1] =	ssyncadd.s32 $0xFFFFC000  }
.LBB2_1:
0x26: {  	s2 =	rddreg [dreg:$0x2]  }
0x27: {  	[tilespmem:s24], [sflag:$0x3] =	stream.linear.gather [hbm4b:s2+s24], $0x3400, $0x38;
	[tilespmem:$0xB400] =	vst v63  }
0x28: {  	_ =	swait.ge [sflag:s18], $0x3400  }
0x29: {  	[sflag:s18] =	ssyncset.done $0x0  }
0x2a: {  	s21 =	simm.s32 $0x40;
	[sflag:s18] =	ssyncadd.s32 $0xFFFFCC00  }
0x2b: {  	v2 =	vld [tilespmem:s21+$0xFFFFFFC0]  }
0x2c: {  	v3 =	vld [tilespmem:s21+$0xFFFFFFD0]  }
0x2d: {  	v4 =	vld [tilespmem:s21+$0xFFFFFFE0]  }
0x2e: {  	s6 =	sadd.s32 $0x0, s15;
	v0 =	vld [tilespmem:s21+$0x0]  }
0x2f: {  	s6 =	sshrl.u32 s6, $0x7;
	v1 =	vld [tilespmem:s21+$0x10]  }
0x30: {  	s13 =	sand.u32 $0x7, s6;
	v5 =	vshll.u32 v2, $0x3;
	v2 =	vld [tilespmem:s21+$0x20]  }
0x31: {  	s16 =	simm.s32 $0x1;
	s17 =	simm.s32 $0x40;
	v6 =	vshll.u32 v3, $0x3;
	v3 =	vld [tilespmem:s21+$0x30];
	v5 =	vor.u32 s13, v5  }
.LBB2_2:
0x32: {  	p4 =	sne.s32 s16, $0x67;
	[tilespmem:s21+$0xFFFFFFC0] =	vst v5;
	v5 =	vor.u32 s13, v6;
	v4 =	vshll.u32 v4, $0x3;
	v6 =	vld [tilespmem:s21+$0xFFFFFFF0];
	s17 =	sadd.s32 $0x80, s17  }
0x33: {  	v7 =	vld [tilespmem:s17+$0xFFFFFFC0];
	[tilespmem:s21+$0xFFFFFFD0] =	vst v5;
	v4 =	vor.u32 s13, v4;
	v0 =	vshll.u32 v0, $0x3  }
0x34: {  	v8 =	vld [tilespmem:s17+$0xFFFFFFD0];
	[tilespmem:s21+$0xFFFFFFE0] =	vst v4;
	v0 =	vor.u32 s13, v0;
	v1 =	vshll.u32 v1, $0x3  }
.Ltmp2:
0x35: {  	v4 =	vld [tilespmem:s17+$0xFFFFFFE0];
	[tilespmem:s21+$0x0] =	vst v0;
	v1 =	vor.u32 s13, v1;
	v2 =	vshll.u32 v2, $0x3;
	(pc) =	sbr.rel @p4 .LBB2_2-.Ltmp2, $4  }
0x36: {  	s6 =	sadd.s32 s16, s15;
	v0 =	vld [tilespmem:s17+$0x0];
	[tilespmem:s21+$0x10] =	vst v1;
	v2 =	vor.u32 s13, v2;
	v3 =	vshll.u32 v3, $0x3  }
0x37: {  	s6 =	sshrl.u32 s6, $0x7;
	v1 =	vld [tilespmem:s17+$0x10];
	v5 =	vshll.u32 v6, $0x3;
	[tilespmem:s21+$0x20] =	vst v2;
	v3 =	vor.u32 s13, v3  }
0x38: {  	v6 =	vshll.u32 v7, $0x3;
	v2 =	vld [tilespmem:s17+$0x20];
	v7 =	vor.u32 s13, v5;
	s13 =	sand.u32 $0x7, s6;
	[tilespmem:s21+$0x30] =	vst v3  }
0x39: {  	s16 =	sadd.s32 $0x1, s16;
	v5 =	vor.u32 s13, v6;
	v6 =	vshll.u32 v8, $0x3;
	v3 =	vld [tilespmem:s17+$0x30];
	[tilespmem:s21+$0xFFFFFFF0] =	vst v7;
	s21 =	smov.u32 s17  }
0x3a: {  	[tilespmem:s21+$0xFFFFFFC0] =	vst v5;
	v55 =	vor.u32 s13, v6;
	v4 =	vshll.u32 v4, $0x3;
	v56 =	vld [tilespmem:s21+$0xFFFFFFF0]  }
0x3b: {  	[tilespmem:s21+$0xFFFFFFD0] =	vst v55;
	v4 =	vor.u32 s13, v4;
	v0 =	vshll.u32 v0, $0x3  }
0x3c: {  	[tilespmem:s21+$0xFFFFFFE0] =	vst v4;
	v0 =	vor.u32 s13, v0;
	v1 =	vshll.u32 v1, $0x3  }
0x3d: {  	[tilespmem:s21+$0x0] =	vst v0;
	v57 =	vor.u32 s13, v1;
	v58 =	vshll.u32 v2, $0x3  }
0x3e: {  	[tilespmem:s21+$0x10] =	vst v57;
	v59 =	vor.u32 s13, v58;
	v60 =	vshll.u32 v3, $0x3  }
0x3f: {  	v61 =	vshll.u32 v56, $0x3;
	[tilespmem:s21+$0x20] =	vst v59;
	v62 =	vor.u32 s13, v60  }
0x40: {  	v63 =	vor.u32 s13, v61;
	[tilespmem:s21+$0x30] =	vst v62  }
0x41: {  	[tilespmem:s21+$0xFFFFFFF0] =	vst v63  }
0x42: {  	[tilespmem:s20], [sflag:$0x1] =	stream.indirect.gather [hbm4b:s10+s19], $0x10, s24, s19, $0xb8;
	[tilespmem:$0xB400] =	vst v63  }
0x43: {  	s2 =	simm.s32 $0x3C00  }
0x44: {  	[tilespmem:s2], [sflag:$0x1] =	stream.indirect.gather [hbm4b:s10+s19], $0x10, s19, s19, $0xb8;
	[tilespmem:$0xB400] =	vst v63  }
0x45: {  	s16 =	simm.s32 $0x100;
	s6 =	simm.s32 $0x4400  }
0x46: {  	[tilespmem:s6], [sflag:$0x1] =	stream.indirect.gather [hbm4b:s10+s19], $0x10, s16, s19, $0xb8;
	[tilespmem:$0xB400] =	vst v63  }
0x47: {  	s17 =	simm.s32 $0x180;
	s21 =	simm.s32 $0x4C00  }
0x48: {  	[tilespmem:s21], [sflag:$0x1] =	stream.indirect.gather [hbm4b:s10+s19], $0x10, s17, s19, $0xb8;
	[tilespmem:$0xB400] =	vst v63  }
0x49: {  	s25 =	simm.s32 $0x5400;
	s24 =	simm.s32 $0x200  }
0x4a: {  	[tilespmem:s25], [sflag:$0x1] =	stream.indirect.gather [hbm4b:s10+s19], $0x10, s24, s19, $0xb8;
	[tilespmem:$0xB400] =	vst v63  }
0x4b: {  	s30 =	simm.s32 $0x280;
	s31 =	simm.s32 $0x5C00  }
0x4c: {  	[tilespmem:s31], [sflag:$0x1] =	stream.indirect.gather [hbm4b:s10+s19], $0x10, s30, s19, $0xb8;
	[tilespmem:$0xB400] =	vst v63  }
0x4d: {  	s8 =	simm.s32 $0x300;
	s9 =	simm.s32 $0x6400  }
0x4e: {  	[tilespmem:s9], [sflag:$0x1] =	stream.indirect.gather [hbm4b:s10+s19], $0x10, s8, s19, $0xb8;
	[tilespmem:$0xB400] =	vst v63  }
0x4f: {  	s13 =	simm.s32 $0x380;
	s16 =	simm.s32 $0x6C00  }
0x50: {  	[tilespmem:s16], [sflag:$0x1] =	stream.indirect.gather [hbm4b:s10+s19], $0x10, s13, s19, $0xb8;
	[tilespmem:$0xB400] =	vst v63  }
0x51: {  	s6 =	smov.u32 s14;
	s13 =	smov.u32 s4  }
0x52: {  	s6 =	smov.u32 @p5 s7;
	_ =	swait.ge [sflag:s22], $0x4000;
	s13 =	smov.u32 @p6 s5  }
0x53: {  	s13 =	smov.u32 @p0 s6;
	[sflag:s22] =	ssyncset.done $0x0  }
0x54: {  	[sflag:s22] =	ssyncadd.s32 $0xFFFFC000;
	s6 =	sadd.s32 s13, s11  }
0x55: {  	[hbm4b:s6+s23] =	stream.strided.scatter [tilespmem:s20], [sflag:$0x2], $0x4000, s19, s23, $0x38;
	[tilespmem:$0xB400] =	vst v63  }
0x56: {  	s17 =	simm.s32 $0x400;
	s21 =	simm.s32 $0x7400  }
0x57: {  	[tilespmem:s21], [sflag:$0x1] =	stream.indirect.gather [hbm4b:s12+s19], $0x10, s17, s19, $0xb8;
	[tilespmem:$0xB400] =	vst v63  }
0x58: {  	s24 =	simm.s32 $0x480;
	s25 =	simm.s32 $0x7C00  }
0x59: {  	[tilespmem:s25], [sflag:$0x1] =	stream.indirect.gather [hbm4b:s12+s19], $0x10, s24, s19, $0xb8;
	[tilespmem:$0xB400] =	vst v63  }
0x5a: {  	s30 =	simm.s32 $0x500;
	s31 =	simm.s32 $0x8400  }
0x5b: {  	[tilespmem:s31], [sflag:$0x1] =	stream.indirect.gather [hbm4b:s12+s19], $0x10, s30, s19, $0xb8;
	[tilespmem:$0xB400] =	vst v63  }
0x5c: {  	s8 =	simm.s32 $0x580;
	s9 =	simm.s32 $0x8C00  }
0x5d: {  	[tilespmem:s9], [sflag:$0x1] =	stream.indirect.gather [hbm4b:s12+s19], $0x10, s8, s19, $0xb8;
	[tilespmem:$0xB400] =	vst v63  }
0x5e: {  	s16 =	simm.s32 $0x9400;
	s13 =	simm.s32 $0x600  }
0x5f: {  	[tilespmem:s16], [sflag:$0x1] =	stream.indirect.gather [hbm4b:s12+s19], $0x10, s13, s19, $0xb8;
	[tilespmem:$0xB400] =	vst v63  }
0x60: {  	s17 =	simm.s32 $0x680;
	s21 =	simm.s32 $0x9C00  }
0x61: {  	[tilespmem:s21], [sflag:$0x1] =	stream.indirect.gather [hbm4b:s12+s19], $0x10, s17, s19, $0xb8;
	[tilespmem:$0xB400] =	vst v63  }
0x62: {  	s24 =	simm.s32 $0x700;
	s25 =	simm.s32 $0xA400  }
0x63: {  	[tilespmem:s25], [sflag:$0x1] =	stream.indirect.gather [hbm4b:s12+s19], $0x10, s24, s19, $0xb8;
	[tilespmem:$0xB400] =	vst v63  }
.Ltmp3:
0x64: {  	s30 =	simm.s32 $0x780;
	s31 =	simm.s32 $0xAC00;
	(pc) =	sbr.rel @p1 .LBB2_7-.Ltmp3, $4  }
0x65: {  	[tilespmem:s31], [sflag:$0x1] =	stream.indirect.gather [hbm4b:s12+s19], $0x10, s30, s19, $0xb8;
	[tilespmem:$0xB400] =	vst v63  }
0x66: {  	_ =	swait.ge [sflag:s22], $0x4000  }
0x67: {  	[sflag:s22] =	ssyncset.done $0x0  }
0x68: {  	[sflag:s22] =	ssyncadd.s32 $0xFFFFC000  }
0x69: {  	s2 =	sld [smem:$0x7FB];
	_ =	sdelay $0x2  }
0x6a: {  	p2 =	seq.s32 s2, $0x1  }
.Ltmp4:
0x6b: {  	_ = 	snop;
	(pc) =	sbr.rel @p2 .LBB2_9-.Ltmp4, $2  }
0x6c: {  	_ =	sdelay $0x2  }
0x6d: {  	s6 =	smov.u32 s4  }
0x6e: {  	s2 =	sld [smem:$0x7FC];
	_ =	sdelay $0x2  }
0x6f: {  	p2 =	seq.s32 s2, $0x1  }
.Ltmp5:
0x70: {  	_ = 	snop;
	(pc) =	sbr.rel @!p2 .LBB2_10-.Ltmp5, $1  }
0x71: {  	_ =	sdelay $0x3  }
.Ltmp6:
0x72: {  	(pc) =	sbr.rel .LBB2_9-.Ltmp6, $2  }
0x73: {  	_ =	sdelay $0x2  }
0x74: {  	s6 =	smov.u32 s5  }
.LBB2_7:
.Ltmp7:
0x75: {  	(pc) =	sbr.rel @!p3 .LBB2_10-.Ltmp7, $1  }
0x76: {  	_ =	sdelay $0x3  }
0x77: {  	s2 =	sld [smem:$0x7FD];
	_ =	sdelay $0x2  }
0x78: {  	s6 =	smov.u32 s7;
	p2 =	seq.s32 s2, $0x1  }
0x79: {  	s6 =	smov.u32 @p2 s14  }
.LBB2_9:
0x7a: {  	s2 =	rddreg [dreg:$0x4]  }
0x7b: {  	s31 =	simm.s32 $0x7400;
	s6 =	sadd.s32 s6, s2  }
0x7c: {  	[hbm4b:s6+s23] =	stream.strided.scatter [tilespmem:s31], [sflag:$0x2], $0x4000, s19, s23, $0x38;
	[tilespmem:$0xB400] =	vst v63  }
.LBB2_10:
.Ltmp8:
0x7d: {  	(pc) =	sbr.rel .LBB2_11-.Ltmp8, $3  }
0x7e: {  	_ =	sdelay $0x1  }
0x7f: {  	s21 =	simm.s32 $0x0;
	s24 =	simm.s32 $0x20000  }
0x80: {  	s13 =	smov.u32 s26;
	s17 =	smov.u32 s28;
	s16 =	smov.u32 s29  }
.LBB2_17:
0x81: {  	s2 =	sand.u32 $0x70, s17;
	s8 =	sand.u32 $0x1E0000, s16  }
0x82: {  	s2 =	sor.u32 s2, s8  }
0x83: {  	s2 =	sshrl.u32 s2, $0x3  }
0x84: {  	s2 =	sadd.s32 s6, s2  }
0x85: {  	[hbm4b:s2+s23] =	stream.strided.scatter [tilespmem:s30], [sflag:$0x2], $0x4000, s19, s23, $0x38;
	[tilespmem:$0xB400] =	vst v63  }
.LBB2_18:
0x86: {  	s21 =	sadd.s32 $0x1000, s21  }
0x87: {  	p2 =	sne.s32 s21, $0xB000  }
.Ltmp9:
0x88: {  	_ = 	snop;
	(pc) =	sbr.rel @!p2 .LBB2_19-.Ltmp9, $3  }
0x89: {  	_ =	sdelay $0x1  }
0x8a: {  	s16 =	sadd.s32 $0x20000, s16  }
0x8b: {  	s17 =	sadd.s32 $0x1, s17;
	s13 =	sadd.s32 $0x400, s13;
	s24 =	sadd.s32 $0x10000, s24  }
.LBB2_11:
0x8c: {  	_ =	swait.ge [sflag:s1], $0x4000;
	s31 =	sshrl.u32 s13, $0x11  }
0x8d: {  	s6 =	sshrl.u32 s24, $0x2;
	s8 =	sshra.s32 s21, $0x2;
	s2 =	smul.u32 $0x188000, s31  }
0x8e: {  	[sflag:s1] =	ssyncset.done $0x0;
	s6 =	sand.u32 $0x4000, s6;
	s9 =	sadd.s32 $0x800, s8  }
0x8f: {  	[sflag:s1] =	ssyncadd.s32 $0xFFFFC000;
	s30 =	sor.u32 $0x3400, s6;
	s2 =	sadd.s32 s3, s2  }
0x90: {  	[tilespmem:s30], [sflag:$0x1] =	stream.indirect.gather [hbm4b:s2+s19], $0x10, s9, s19, $0xb8;
	[tilespmem:$0xB400] =	vst v63  }
0x91: {  	s25 =	sadd.s32 $0x880, s8;
	s9 =	sor.u32 $0x3C00, s6  }
0x92: {  	[tilespmem:s9], [sflag:$0x1] =	stream.indirect.gather [hbm4b:s2+s19], $0x10, s25, s19, $0xb8;
	[tilespmem:$0xB400] =	vst v63  }
0x93: {  	s9 =	sadd.s32 $0x4400, s6;
	s25 =	sadd.s32 $0x900, s8  }
0x94: {  	[tilespmem:s9], [sflag:$0x1] =	stream.indirect.gather [hbm4b:s2+s19], $0x10, s25, s19, $0xb8;
	[tilespmem:$0xB400] =	vst v63  }
0x95: {  	s9 =	sadd.s32 $0x4C00, s6;
	s25 =	sadd.s32 $0x980, s8  }
0x96: {  	[tilespmem:s9], [sflag:$0x1] =	stream.indirect.gather [hbm4b:s2+s19], $0x10, s25, s19, $0xb8;
	[tilespmem:$0xB400] =	vst v63  }
0x97: {  	s9 =	sadd.s32 $0x5400, s6;
	s25 =	sadd.s32 $0xA00, s8  }
0x98: {  	[tilespmem:s9], [sflag:$0x1] =	stream.indirect.gather [hbm4b:s2+s19], $0x10, s25, s19, $0xb8;
	[tilespmem:$0xB400] =	vst v63  }
0x99: {  	s9 =	sadd.s32 $0x5C00, s6;
	s25 =	sadd.s32 $0xA80, s8  }
0x9a: {  	[tilespmem:s9], [sflag:$0x1] =	stream.indirect.gather [hbm4b:s2+s19], $0x10, s25, s19, $0xb8;
	[tilespmem:$0xB400] =	vst v63  }
0x9b: {  	p2 =	sgt.s32 s31, $0x1;
	s9 =	sadd.s32 $0x6400, s6;
	s25 =	sadd.s32 $0xB00, s8  }
0x9c: {  	[tilespmem:s9], [sflag:$0x1] =	stream.indirect.gather [hbm4b:s2+s19], $0x10, s25, s19, $0xb8;
	[tilespmem:$0xB400] =	vst v63  }
.Ltmp10:
0x9d: {  	s6 =	sadd.s32 $0x6C00, s6;
	s8 =	sadd.s32 $0xB80, s8;
	(pc) =	sbr.rel @p2 .LBB2_14-.Ltmp10, $4  }
0x9e: {  	[tilespmem:s6], [sflag:$0x1] =	stream.indirect.gather [hbm4b:s2+s19], $0x10, s8, s19, $0xb8;
	[tilespmem:$0xB400] =	vst v63  }
0x9f: {  	_ =	swait.ge [sflag:s22], $0x4000  }
0xa0: {  	[sflag:s22] =	ssyncset.done $0x0  }
0xa1: {  	[sflag:s22] =	ssyncadd.s32 $0xFFFFC000  }
0xa2: {  	p4 =	seq.s32 s31, $0x0  }
0xa3: {  	p2 =	seq.s32 @!p4 s31, $0x1  }
0xa4: {  	p2 =	por p4, p2  }
.Ltmp11:
0xa5: {  	_ = 	snop;
	(pc) =	sbr.rel @!p2 .LBB2_18-.Ltmp11, $1  }
0xa6: {  	_ =	sdelay $0x3  }
.Ltmp12:
0xa7: {  	(pc) =	sbr.rel .LBB2_17-.Ltmp12, $3  }
0xa8: {  	_ =	sdelay $0x1  }
0xa9: {  	s6 =	smov.u32 s5  }
0xaa: {  	s6 =	smov.u32 @p4 s4  }
.LBB2_14:
0xab: {  	p2 =	seq.s32 s31, $0x2  }
.Ltmp13:
0xac: {  	_ = 	snop;
	(pc) =	sbr.rel @p2 .LBB2_17-.Ltmp13, $2  }
0xad: {  	_ =	sdelay $0x2  }
0xae: {  	s6 =	smov.u32 s14  }
0xaf: {  	p2 =	seq.s32 s31, $0x3  }
.Ltmp14:
0xb0: {  	_ = 	snop;
	(pc) =	sbr.rel @!p2 .LBB2_18-.Ltmp14, $1  }
0xb1: {  	_ =	sdelay $0x3  }
.Ltmp15:
0xb2: {  	(pc) =	sbr.rel .LBB2_17-.Ltmp15, $2  }
0xb3: {  	_ =	sdelay $0x2  }
0xb4: {  	s6 =	smov.u32 s7  }
.LBB2_20:
0xb5: {  	_ =	sfence.sel $0x180000  }
0xb6: {  	[bflag:$0x0] =	sbarrier.arrive $0xFFFF  }
0xb7: {  	_ =	strace $0x90000047  }
0xb8: {  	s0 =	stileid.u32;
	[bflag:$0x2] =	sbarrier.arrive $0xFFFF  }
0xb9: {  	p0 =	sne.s32 s0, $0x0;
	s0 =	rddreg [dreg:$0x1]  }
0xba: {  	s0 =	sadd.s32 @!p0 $0x100000, s0  }
0xbb: {  	[sflag:s0] =	ssyncadd.tile.s32 @!p0 $0x1;
	_ =	shalt  }
.Lfunc_end2:
_tile_overlayer_lowered:
.L_overlay_start_2:
0xbc: {  	(tag) =	ssettag $0x2  }
0xbd: {  	s0 =	rddreg [dreg:$0x0];
	s2 =	stileid.u32  }
0xbe: {  	s1 =	rddreg [dreg:$0x1];
	p0 =	sne.s32 s2, $0x0  }
0xbf: {  	s3 =	rddreg [dreg:$0x2];
	[bflag:$0x3] =	sbarrier.arrive $0xFFFF;
	s2 =	simm.s32 @!p0 $0x1C03  }
0xc0: {  	[timem:s3], [sflag:s2] =	dma.local @!p0 [hbm:s0], s1  }
0xc1: {  	s0 =	simm.s32 @!p0 $0x3  }
0xc2: {  	_ =	swait.ge @!p0 [sflag:s0], s1  }
0xc3: {  	s1 =	ssub.s32 @!p0 $0x0, s1;
	[sflag:s0] =	ssyncset.done @!p0 $0x0  }
0xc4: {  	[sflag:s0] =	ssyncadd.s32 @!p0 s1  }
0xc5: {  	[bflag:$0x3] =	sbarrier.arrive $0xFFFF  }
0xc6: {  	_ =	shalt  }

</sc_bundles>
